<compile_context>
chip_gen: v7x
topology: tpu7x:2x2x1
jax: 0.10.2.dev20260603
libtpu: 0.0.44.dev20260713+nightly
codegen_flags: <defaults>
</compile_context>

<pallas_src>
import functools

import jax
import jax.numpy as jnp
from jax.experimental import pallas as pl
from jax.experimental.pallas import tpu as pltpu


def _moe_body(x_ref, f_ref, g_ref, lb_ref, wh_ref, wf_ref, cr_ref,
              w2b_ref, b2b_ref, w2i_ref, b2i_ref, we1_ref, be1_ref,
              we2_ref, be2_ref, alpha_ref,
              oh_ref, ogw_ref, ogl_ref, obw_ref, obl_ref, od_ref,
              *, NB, ES, DH):
    NE = NB * ES
    x = x_ref[...]
    f = f_ref[...]
    m = jnp.mean(x, axis=-1, keepdims=True)
    xc = x - m
    v = jnp.mean(xc * xc, axis=-1, keepdims=True)
    hn = xc * jax.lax.rsqrt(v + 1e-5) * g_ref[...] + lb_ref[...]
    hr = jax.nn.gelu(
        jnp.dot(hn, wh_ref[...], preferred_element_type=jnp.float32)
        + jnp.dot(f, wf_ref[...], preferred_element_type=jnp.float32)
        + cr_ref[...])
    bl = jnp.dot(hr, w2b_ref[...], preferred_element_type=jnp.float32) + b2b_ref[...]
    il = jnp.dot(hr, w2i_ref[...], preferred_element_type=jnp.float32) + b2i_ref[...]
    bm = jnp.max(bl, axis=-1, keepdims=True)
    be = jnp.exp(bl - bm)
    bw = be / jnp.sum(be, axis=-1, keepdims=True)
    im = jnp.max(il, axis=-1, keepdims=True)
    ie = jnp.exp(il - im)
    jj = jax.lax.broadcasted_iota(jnp.int32, (NE, NE), 0)
    kk = jax.lax.broadcasted_iota(jnp.int32, (NE, NE), 1)
    grp = (jj // ES == kk // ES).astype(jnp.float32)
    isum = jnp.dot(ie, grp, preferred_element_type=jnp.float32)
    iw = ie / isum
    bb = jax.lax.broadcasted_iota(jnp.int32, (NB, NE), 0)
    bk = jax.lax.broadcasted_iota(jnp.int32, (NB, NE), 1)
    rep = (bk // ES == bb).astype(jnp.float32)
    gw = jnp.dot(bw, rep, preferred_element_type=jnp.float32) * iw
    gl = jnp.dot(bl, rep, preferred_element_type=jnp.float32) + il
    acc = jnp.dot(gw, be2_ref[...], preferred_element_type=jnp.float32)
    for k in range(NE):
        h1k = jax.nn.gelu(
            jnp.dot(hn, we1_ref[k], preferred_element_type=jnp.float32)
            + be1_ref[k:k + 1, :])
        acc = acc + jnp.dot(h1k * gw[:, k:k + 1], we2_ref[k],
                            preferred_element_type=jnp.float32)
    oh_ref[...] = x + alpha_ref[0, 0] * acc
    od_ref[...] = acc
    ogw_ref[...] = gw
    ogl_ref[...] = gl
    obw_ref[...] = bw
    obl_ref[...] = bl


def kernel(hidden, feat, ln_g, ln_b, Wsf, bsf, Wbf, bbf, Wbr1, bbr1, Wbr2, bbr2,
           Wir1, bir1, Wir2, bir2, We1, be1, We2, be2, alpha):
    B, T, D = hidden.shape
    F = feat.shape[-1]
    NB, FG, FE = Wbf.shape
    RH = Wbr1.shape[1]
    DH = We1.shape[2]
    ES = Wir2.shape[2]
    NE = NB * ES
    N = B * T
    RTOT = RH * (NB + 1)

    Wbr1_h, Wbr1_f = Wbr1[:D], Wbr1[D:]
    wh_parts = [Wbr1_h]
    wf = jnp.zeros((F, RTOT), jnp.float32)
    wf = wf.at[:, :RH].set(Wsf @ Wbr1_f)
    cr_parts = [bsf @ Wbr1_f + bbr1]
    for b in range(NB):
        Wi_h, Wi_f = Wir1[b][:D], Wir1[b][D:]
        wh_parts.append(Wi_h)
        wf = wf.at[FG * b:FG * (b + 1), RH * (b + 1):RH * (b + 2)].set(Wbf[b] @ Wi_f)
        cr_parts.append(bbf[b] @ Wi_f + bir1[b])
    wh = jnp.concatenate(wh_parts, axis=1)
    cr = jnp.concatenate(cr_parts)[None, :]
    w2b = jnp.zeros((RTOT, NB), jnp.float32).at[:RH].set(Wbr2)
    b2b = bbr2[None, :]
    w2i = jnp.zeros((RTOT, NE), jnp.float32)
    for b in range(NB):
        w2i = w2i.at[RH * (b + 1):RH * (b + 2), ES * b:ES * (b + 1)].set(Wir2[b])
    b2i = bir2.reshape(-1)[None, :]

    x = hidden.reshape(N, D)
    f2 = feat.reshape(N, F)
    g2 = ln_g[None, :]
    lb2 = ln_b[None, :]
    a2 = alpha.reshape(1, 1)

    BLK = 512 if N % 512 == 0 else N
    grid = (N // BLK,)

    def tok(i):
        return (i, 0)

    def fix(i):
        return (0, 0)

    out_shape = [
        jax.ShapeDtypeStruct((N, D), jnp.float32),
        jax.ShapeDtypeStruct((N, NE), jnp.float32),
        jax.ShapeDtypeStruct((N, NE), jnp.float32),
        jax.ShapeDtypeStruct((N, NB), jnp.float32),
        jax.ShapeDtypeStruct((N, NB), jnp.float32),
        jax.ShapeDtypeStruct((N, D), jnp.float32),
    ]
    outs = pl.pallas_call(
        functools.partial(_moe_body, NB=NB, ES=ES, DH=DH),
        grid=grid,
        in_specs=[
            pl.BlockSpec((BLK, D), tok),
            pl.BlockSpec((BLK, F), tok),
            pl.BlockSpec((1, D), fix),
            pl.BlockSpec((1, D), fix),
            pl.BlockSpec((D, RTOT), fix),
            pl.BlockSpec((F, RTOT), fix),
            pl.BlockSpec((1, RTOT), fix),
            pl.BlockSpec((RTOT, NB), fix),
            pl.BlockSpec((1, NB), fix),
            pl.BlockSpec((RTOT, NE), fix),
            pl.BlockSpec((1, NE), fix),
            pl.BlockSpec((NE, D, DH), lambda i: (0, 0, 0)),
            pl.BlockSpec((NE, DH), fix),
            pl.BlockSpec((NE, DH, D), lambda i: (0, 0, 0)),
            pl.BlockSpec((NE, D), fix),
            pl.BlockSpec((1, 1), fix),
        ],
        out_specs=[
            pl.BlockSpec((BLK, D), tok),
            pl.BlockSpec((BLK, NE), tok),
            pl.BlockSpec((BLK, NE), tok),
            pl.BlockSpec((BLK, NB), tok),
            pl.BlockSpec((BLK, NB), tok),
            pl.BlockSpec((BLK, D), tok),
        ],
        out_shape=out_shape,
        compiler_params=pltpu.CompilerParams(
            dimension_semantics=("arbitrary",),
        ),
    )(x, f2, g2, lb2, wh, wf, cr, w2b, b2b, w2i, b2i, We1, be1, We2, be2, a2)

    nh, gw, gl, bw, bl, dl = outs
    return (nh.reshape(B, T, D), gw.reshape(B, T, NE), gl.reshape(B, T, NE),
            bw.reshape(B, T, NB), bl.reshape(B, T, NB), dl.reshape(B, T, D))

# --- scband reference (transcript-rebuilt; emitter-appended) ---
"""Pipeline reference for scband-hierarchical-stage-mo-e-63178968924522 (READ-ONLY COPY).

The authoritative reference and input builder live on the scoring server;
editing this copy changes nothing except your own understanding.
"""

import jax, jax.numpy as jnp
import numpy as np

B, T, D, F, FE, DH, RH, NB, ES = 1024, 50, 256, 64, 64, 512, 64, 4, 2
NE = NB * ES
RIN = D + FE


def _ln(x, g, b):
    m = x.mean(-1, keepdims=True)
    v = ((x - m) ** 2).mean(-1, keepdims=True)
    return (x - m) / jnp.sqrt(v + 1e-5) * g + b


def _router(x, W1, b1, W2, b2, temp):
    h = jax.nn.gelu(x @ W1 + b1)
    logits = h @ W2 + b2
    w = jax.nn.softmax(logits / temp, axis=-1)
    return w, logits


def setup_inputs(seed: int = 0) -> dict:
    key = jax.random.key(seed)
    ks = [jax.random.fold_in(key, i) for i in range(16)]

    def rn(k, shape, scale):
        return jax.random.normal(k, shape, dtype=jnp.float32) * scale

    inp = {}
    inp["hidden"] = rn(ks[0], (B, T, D), 1.0)
    inp["feat"] = jax.random.uniform(ks[1], (B, T, F), dtype=jnp.float32)
    inp["ln_g"] = jnp.ones((D,), jnp.float32)
    inp["ln_b"] = jnp.zeros((D,), jnp.float32)
    inp["Wsf"] = rn(ks[2], (F, FE), 0.05)
    inp["bsf"] = jnp.zeros((FE,), jnp.float32)
    inp["Wbf"] = rn(ks[3], (NB, 16, FE), 0.1)
    inp["bbf"] = jnp.zeros((NB, FE), jnp.float32)
    inp["Wbr1"] = rn(ks[4], (RIN, RH), 0.05)
    inp["bbr1"] = jnp.zeros((RH,), jnp.float32)
    inp["Wbr2"] = rn(ks[5], (RH, NB), 0.05)
    inp["bbr2"] = jnp.zeros((NB,), jnp.float32)
    inp["Wir1"] = rn(ks[6], (NB, RIN, RH), 0.05)
    inp["bir1"] = jnp.zeros((NB, RH), jnp.float32)
    inp["Wir2"] = rn(ks[7], (NB, RH, ES), 0.05)
    inp["bir2"] = jnp.zeros((NB, ES), jnp.float32)
    inp["We1"] = rn(ks[8], (NE, D, DH), 0.03)
    inp["be1"] = jnp.zeros((NE, DH), jnp.float32)
    inp["We2"] = rn(ks[9], (NE, DH, D), 0.03)
    inp["be2"] = jnp.zeros((NE, D), jnp.float32)
    inp["alpha"] = jnp.array(1.0, jnp.float32)
    return inp


def reference(hidden, feat, ln_g, ln_b, Wsf, bsf, Wbf, bbf, Wbr1, bbr1, Wbr2, bbr2,
              Wir1, bir1, Wir2, bir2, We1, be1, We2, be2, alpha):
    temp = 1.0
    h_norm = _ln(hidden, ln_g, ln_b)
    stage_idx = jnp.arange(F)
    stage_feat = jnp.take(feat, stage_idx, axis=-1)
    stage_emb = stage_feat @ Wsf + bsf
    br_in = jnp.concatenate([h_norm, stage_emb], axis=-1)
    bundle_w, bundle_l = _router(br_in, Wbr1, bbr1, Wbr2, bbr2, temp)
    gw, gl = [], []
    for b in range(NB):
        idx = jnp.arange(16) + 16 * b
        femb = jnp.take(feat, idx, axis=-1) @ Wbf[b] + bbf[b]
        iin = jnp.concatenate([h_norm, femb], axis=-1)
        iw, il = _router(iin, Wir1[b], bir1[b], Wir2[b], bir2[b], temp)
        gw.append(bundle_w[..., b:b + 1] * iw)
        gl.append(bundle_l[..., b:b + 1] + il)
    gate_w = jnp.concatenate(gw, axis=-1)
    gate_l = jnp.concatenate(gl, axis=-1)
    delta = jnp.zeros_like(hidden)
    for k in range(NE):
        e = jax.nn.gelu(h_norm @ We1[k] + be1[k]) @ We2[k] + be2[k]
        delta = delta + gate_w[..., k:k + 1] * e
    next_hidden = hidden + alpha * delta
    return (next_hidden, gate_w, gate_l, bundle_w, bundle_l, delta)

if __name__ == "__main__":
    import jax
    _d = setup_inputs()
    print(jax.jit(kernel)(*tuple(_d.values())))

</pallas_src>

<mosaic_0001>
module attributes {stable_mosaic.version = 14 : i64} {
  func.func @_moe_body(%arg0: i32, %arg1: memref<512x256xf32, #tpu.memory_space<vmem>>, %arg2: memref<512x64xf32, #tpu.memory_space<vmem>>, %arg3: memref<1x256xf32, #tpu.memory_space<vmem>>, %arg4: memref<1x256xf32, #tpu.memory_space<vmem>>, %arg5: memref<256x320xf32, #tpu.memory_space<vmem>>, %arg6: memref<64x320xf32, #tpu.memory_space<vmem>>, %arg7: memref<1x320xf32, #tpu.memory_space<vmem>>, %arg8: memref<320x4xf32, #tpu.memory_space<vmem>>, %arg9: memref<1x4xf32, #tpu.memory_space<vmem>>, %arg10: memref<320x8xf32, #tpu.memory_space<vmem>>, %arg11: memref<1x8xf32, #tpu.memory_space<vmem>>, %arg12: memref<8x256x512xf32, #tpu.memory_space<vmem>>, %arg13: memref<8x512xf32, #tpu.memory_space<vmem>>, %arg14: memref<8x512x256xf32, #tpu.memory_space<vmem>>, %arg15: memref<8x256xf32, #tpu.memory_space<vmem>>, %arg16: memref<1x1xf32, #tpu.memory_space<vmem>>, %arg17: memref<512x256xf32, #tpu.memory_space<vmem>>, %arg18: memref<512x8xf32, #tpu.memory_space<vmem>>, %arg19: memref<512x8xf32, #tpu.memory_space<vmem>>, %arg20: memref<512x4xf32, #tpu.memory_space<vmem>>, %arg21: memref<512x4xf32, #tpu.memory_space<vmem>>, %arg22: memref<512x256xf32, #tpu.memory_space<vmem>>) attributes {dimension_semantics = [#tpu.dimension_semantics<arbitrary>], iteration_bounds = array<i64: 100>, scalar_prefetch = 0 : i64, scratch_operands = 0 : i64, tpu.core_type = #tpu.core_type<tc>, window_params = [{transform_indices = @transform_0, window_bounds = array<i64: 512, 256>}, {transform_indices = @transform_1, window_bounds = array<i64: 512, 64>}, {pipeline_mode = #tpu.pipeline_mode<synchronous>, transform_indices = @transform_2, window_bounds = array<i64: 1, 256>}, {pipeline_mode = #tpu.pipeline_mode<synchronous>, transform_indices = @transform_3, window_bounds = array<i64: 1, 256>}, {pipeline_mode = #tpu.pipeline_mode<synchronous>, transform_indices = @transform_4, window_bounds = array<i64: 256, 320>}, {pipeline_mode = #tpu.pipeline_mode<synchronous>, transform_indices = @transform_5, window_bounds = array<i64: 64, 320>}, {pipeline_mode = #tpu.pipeline_mode<synchronous>, transform_indices = @transform_6, window_bounds = array<i64: 1, 320>}, {pipeline_mode = #tpu.pipeline_mode<synchronous>, transform_indices = @transform_7, window_bounds = array<i64: 320, 4>}, {pipeline_mode = #tpu.pipeline_mode<synchronous>, transform_indices = @transform_8, window_bounds = array<i64: 1, 4>}, {pipeline_mode = #tpu.pipeline_mode<synchronous>, transform_indices = @transform_9, window_bounds = array<i64: 320, 8>}, {pipeline_mode = #tpu.pipeline_mode<synchronous>, transform_indices = @transform_10, window_bounds = array<i64: 1, 8>}, {pipeline_mode = #tpu.pipeline_mode<synchronous>, transform_indices = @transform_11, window_bounds = array<i64: 8, 256, 512>}, {pipeline_mode = #tpu.pipeline_mode<synchronous>, transform_indices = @transform_12, window_bounds = array<i64: 8, 512>}, {pipeline_mode = #tpu.pipeline_mode<synchronous>, transform_indices = @transform_13, window_bounds = array<i64: 8, 512, 256>}, {pipeline_mode = #tpu.pipeline_mode<synchronous>, transform_indices = @transform_14, window_bounds = array<i64: 8, 256>}, {pipeline_mode = #tpu.pipeline_mode<synchronous>, transform_indices = @transform_15, window_bounds = array<i64: 1, 1>}, {transform_indices = @transform_16, window_bounds = array<i64: 512, 256>}, {transform_indices = @transform_17, window_bounds = array<i64: 512, 8>}, {transform_indices = @transform_18, window_bounds = array<i64: 512, 8>}, {transform_indices = @transform_19, window_bounds = array<i64: 512, 4>}, {transform_indices = @transform_20, window_bounds = array<i64: 512, 4>}, {transform_indices = @transform_21, window_bounds = array<i64: 512, 256>}]} {
    %get3A = arith.constant 0 : index
    %get3A_0 = arith.constant 0 : index
    %get3A_1 = vector.load %arg1[%get3A, %get3A_0] : memref<512x256xf32, #tpu.memory_space<vmem>>, vector<512x256xf32>
    %get3A_2 = arith.constant 0 : index
    %get3A_3 = arith.constant 0 : index
    %get3A_4 = vector.load %arg2[%get3A_2, %get3A_3] : memref<512x64xf32, #tpu.memory_space<vmem>>, vector<512x64xf32>
    %reduce_sum3A = arith.constant dense<0.000000e+00> : vector<512xf32>
    %reduce_sum3A_5 = vector.multi_reduction <add>, %get3A_1, %reduce_sum3A [1] : vector<512x256xf32> to vector<512xf32>
    %broadcast_in_dim3A = vector.shape_cast %reduce_sum3A_5 : vector<512xf32> to vector<512x1xf32>
    %div3A = arith.constant 2.560000e+02 : f32
    %div3A_6 = vector.broadcast %div3A : f32 to vector<512x1xf32>
    %div3A_7 = arith.divf %broadcast_in_dim3A, %div3A_6 : vector<512x1xf32>
    %sub3A = vector.broadcast %div3A_7 : vector<512x1xf32> to vector<512x256xf32>
    %sub3A_8 = arith.subf %get3A_1, %sub3A : vector<512x256xf32>
    %mul3A = arith.mulf %sub3A_8, %sub3A_8 : vector<512x256xf32>
    %reduce_sum3A_9 = arith.constant dense<0.000000e+00> : vector<512xf32>
    %reduce_sum3A_10 = vector.multi_reduction <add>, %mul3A, %reduce_sum3A_9 [1] : vector<512x256xf32> to vector<512xf32>
    %broadcast_in_dim3A_11 = vector.shape_cast %reduce_sum3A_10 : vector<512xf32> to vector<512x1xf32>
    %div3A_12 = arith.constant 2.560000e+02 : f32
    %div3A_13 = vector.broadcast %div3A_12 : f32 to vector<512x1xf32>
    %div3A_14 = arith.divf %broadcast_in_dim3A_11, %div3A_13 : vector<512x1xf32>
    %add3A = arith.constant 9.99999974E-6 : f32
    %add3A_15 = vector.broadcast %add3A : f32 to vector<512x1xf32>
    %add3A_16 = arith.addf %div3A_14, %add3A_15 : vector<512x1xf32>
    %rsqrt3A = math.rsqrt %add3A_16 : vector<512x1xf32>
    %mul3A_17 = vector.broadcast %rsqrt3A : vector<512x1xf32> to vector<512x256xf32>
    %mul3A_18 = arith.mulf %sub3A_8, %mul3A_17 : vector<512x256xf32>
    %get3A_19 = arith.constant 0 : index
    %get3A_20 = arith.constant 0 : index
    %get3A_21 = vector.load %arg3[%get3A_19, %get3A_20] : memref<1x256xf32, #tpu.memory_space<vmem>>, vector<1x256xf32>
    %mul3A_22 = vector.broadcast %get3A_21 : vector<1x256xf32> to vector<512x256xf32>
    %mul3A_23 = arith.mulf %mul3A_18, %mul3A_22 : vector<512x256xf32>
    %get3A_24 = arith.constant 0 : index
    %get3A_25 = arith.constant 0 : index
    %get3A_26 = vector.load %arg4[%get3A_24, %get3A_25] : memref<1x256xf32, #tpu.memory_space<vmem>>, vector<1x256xf32>
    %add3A_27 = vector.broadcast %get3A_26 : vector<1x256xf32> to vector<512x256xf32>
    %add3A_28 = arith.addf %mul3A_23, %add3A_27 : vector<512x256xf32>
    %get3A_29 = arith.constant 0 : index
    %get3A_30 = arith.constant 0 : index
    %get3A_31 = vector.load %arg5[%get3A_29, %get3A_30] : memref<256x320xf32, #tpu.memory_space<vmem>>, vector<256x320xf32>
    %dot_general3A = arith.constant dense<0.000000e+00> : vector<512x320xf32>
    %dot_general3A_32 = tpu.matmul %add3A_28, %get3A_31, %dot_general3A {dimension_numbers = #tpu.dot_dimension_numbers<[1], [0], [0], [1], [0, 0, 1, 1], [], []>, transpose_lhs_hint = false} : vector<512x256xf32>, vector<256x320xf32>, vector<512x320xf32> -> vector<512x320xf32>
    %get3A_33 = arith.constant 0 : index
    %get3A_34 = arith.constant 0 : index
    %get3A_35 = vector.load %arg6[%get3A_33, %get3A_34] : memref<64x320xf32, #tpu.memory_space<vmem>>, vector<64x320xf32>
    %dot_general3A_36 = arith.constant dense<0.000000e+00> : vector<512x320xf32>
    %dot_general3A_37 = tpu.matmul %get3A_4, %get3A_35, %dot_general3A_36 {dimension_numbers = #tpu.dot_dimension_numbers<[1], [0], [0], [1], [0, 0, 1, 1], [], []>, transpose_lhs_hint = false} : vector<512x64xf32>, vector<64x320xf32>, vector<512x320xf32> -> vector<512x320xf32>
    %add3A_38 = arith.addf %dot_general3A_32, %dot_general3A_37 : vector<512x320xf32>
    %get3A_39 = arith.constant 0 : index
    %get3A_40 = arith.constant 0 : index
    %get3A_41 = vector.load %arg7[%get3A_39, %get3A_40] : memref<1x320xf32, #tpu.memory_space<vmem>>, vector<1x320xf32>
    %add3A_42 = vector.broadcast %get3A_41 : vector<1x320xf32> to vector<512x320xf32>
    %add3A_43 = arith.addf %add3A_38, %add3A_42 : vector<512x320xf32>
    %integer_pow3A = arith.mulf %add3A_43, %add3A_43 : vector<512x320xf32>
    %integer_pow3A_44 = arith.mulf %add3A_43, %integer_pow3A : vector<512x320xf32>
    %mul3A_45 = arith.constant 4.471500e-02 : f32
    %mul3A_46 = vector.broadcast %mul3A_45 : f32 to vector<512x320xf32>
    %mul3A_47 = arith.mulf %mul3A_46, %integer_pow3A_44 : vector<512x320xf32>
    %add3A_48 = arith.addf %add3A_43, %mul3A_47 : vector<512x320xf32>
    %mul3A_49 = arith.constant 0.797884583 : f32
    %mul3A_50 = vector.broadcast %mul3A_49 : f32 to vector<512x320xf32>
    %mul3A_51 = arith.mulf %mul3A_50, %add3A_48 : vector<512x320xf32>
    %tanh3A = math.tanh %mul3A_51 : vector<512x320xf32>
    %add3A_52 = arith.constant 1.000000e+00 : f32
    %add3A_53 = vector.broadcast %add3A_52 : f32 to vector<512x320xf32>
    %add3A_54 = arith.addf %add3A_53, %tanh3A : vector<512x320xf32>
    %mul3A_55 = arith.constant 5.000000e-01 : f32
    %mul3A_56 = vector.broadcast %mul3A_55 : f32 to vector<512x320xf32>
    %mul3A_57 = arith.mulf %mul3A_56, %add3A_54 : vector<512x320xf32>
    %mul3A_58 = arith.mulf %add3A_43, %mul3A_57 : vector<512x320xf32>
    %get3A_59 = arith.constant 0 : index
    %get3A_60 = arith.constant 0 : index
    %get3A_61 = vector.load %arg8[%get3A_59, %get3A_60] : memref<320x4xf32, #tpu.memory_space<vmem>>, vector<320x4xf32>
    %dot_general3A_62 = arith.constant dense<0.000000e+00> : vector<512x4xf32>
    %dot_general3A_63 = tpu.matmul %mul3A_58, %get3A_61, %dot_general3A_62 {dimension_numbers = #tpu.dot_dimension_numbers<[1], [0], [0], [1], [0, 0, 1, 1], [], []>, transpose_lhs_hint = false} : vector<512x320xf32>, vector<320x4xf32>, vector<512x4xf32> -> vector<512x4xf32>
    %get3A_64 = arith.constant 0 : index
    %get3A_65 = arith.constant 0 : index
    %get3A_66 = vector.load %arg9[%get3A_64, %get3A_65] : memref<1x4xf32, #tpu.memory_space<vmem>>, vector<1x4xf32>
    %add3A_67 = vector.broadcast %get3A_66 : vector<1x4xf32> to vector<512x4xf32>
    %add3A_68 = arith.addf %dot_general3A_63, %add3A_67 : vector<512x4xf32>
    %get3A_69 = arith.constant 0 : index
    %get3A_70 = arith.constant 0 : index
    %get3A_71 = vector.load %arg10[%get3A_69, %get3A_70] : memref<320x8xf32, #tpu.memory_space<vmem>>, vector<320x8xf32>
    %dot_general3A_72 = arith.constant dense<0.000000e+00> : vector<512x8xf32>
    %dot_general3A_73 = tpu.matmul %mul3A_58, %get3A_71, %dot_general3A_72 {dimension_numbers = #tpu.dot_dimension_numbers<[1], [0], [0], [1], [0, 0, 1, 1], [], []>, transpose_lhs_hint = false} : vector<512x320xf32>, vector<320x8xf32>, vector<512x8xf32> -> vector<512x8xf32>
    %get3A_74 = arith.constant 0 : index
    %get3A_75 = arith.constant 0 : index
    %get3A_76 = vector.load %arg11[%get3A_74, %get3A_75] : memref<1x8xf32, #tpu.memory_space<vmem>>, vector<1x8xf32>
    %add3A_77 = vector.broadcast %get3A_76 : vector<1x8xf32> to vector<512x8xf32>
    %add3A_78 = arith.addf %dot_general3A_73, %add3A_77 : vector<512x8xf32>
    %reduce_max3A = arith.constant dense<0xFF800000> : vector<512xf32>
    %reduce_max3A_79 = vector.multi_reduction <maximumf>, %add3A_68, %reduce_max3A [1] : vector<512x4xf32> to vector<512xf32>
    %broadcast_in_dim3A_80 = vector.shape_cast %reduce_max3A_79 : vector<512xf32> to vector<512x1xf32>
    %sub3A_81 = vector.broadcast %broadcast_in_dim3A_80 : vector<512x1xf32> to vector<512x4xf32>
    %sub3A_82 = arith.subf %add3A_68, %sub3A_81 : vector<512x4xf32>
    %exp3A = math.exp %sub3A_82 : vector<512x4xf32>
    %reduce_sum3A_83 = arith.constant dense<0.000000e+00> : vector<512xf32>
    %reduce_sum3A_84 = vector.multi_reduction <add>, %exp3A, %reduce_sum3A_83 [1] : vector<512x4xf32> to vector<512xf32>
    %broadcast_in_dim3A_85 = vector.shape_cast %reduce_sum3A_84 : vector<512xf32> to vector<512x1xf32>
    %div3A_86 = vector.broadcast %broadcast_in_dim3A_85 : vector<512x1xf32> to vector<512x4xf32>
    %div3A_87 = arith.divf %exp3A, %div3A_86 : vector<512x4xf32>
    %reduce_max3A_88 = arith.constant dense<0xFF800000> : vector<512xf32>
    %reduce_max3A_89 = vector.multi_reduction <maximumf>, %add3A_78, %reduce_max3A_88 [1] : vector<512x8xf32> to vector<512xf32>
    %broadcast_in_dim3A_90 = vector.shape_cast %reduce_max3A_89 : vector<512xf32> to vector<512x1xf32>
    %sub3A_91 = vector.broadcast %broadcast_in_dim3A_90 : vector<512x1xf32> to vector<512x8xf32>
    %sub3A_92 = arith.subf %add3A_78, %sub3A_91 : vector<512x8xf32>
    %exp3A_93 = math.exp %sub3A_92 : vector<512x8xf32>
    %iota3A = tpu.iota {dimensions = array<i32: 0>} : vector<8x8xi32>
    %iota3A_94 = tpu.iota {dimensions = array<i32: 1>} : vector<8x8xi32>
    %jit3A = arith.constant 2 : i32
    %div3A_95 = vector.broadcast %jit3A : i32 to vector<8x8xi32>
    %div3A_96 = arith.divsi %iota3A, %div3A_95 : vector<8x8xi32>
    %sign3A = arith.constant 0 : i32
    %sign3A_97 = vector.broadcast %sign3A : i32 to vector<8x8xi32>
    %sign3A_98 = arith.cmpi sgt, %iota3A, %sign3A_97 : vector<8x8xi32>
    %sign3A_99 = arith.extui %sign3A_98 : vector<8x8xi1> to vector<8x8xi32>
    %sign3A_100 = arith.constant 0 : i32
    %sign3A_101 = vector.broadcast %sign3A_100 : i32 to vector<8x8xi32>
    %sign3A_102 = arith.cmpi slt, %iota3A, %sign3A_101 : vector<8x8xi32>
    %sign3A_103 = arith.extui %sign3A_102 : vector<8x8xi1> to vector<8x8xi32>
    %sign3A_104 = arith.subi %sign3A_99, %sign3A_103 : vector<8x8xi32>
    %sign3A_105 = arith.constant 0 : i32
    %sign3A_106 = arith.cmpi sgt, %jit3A, %sign3A_105 : i32
    %sign3A_107 = arith.extui %sign3A_106 : i1 to i32
    %sign3A_108 = arith.constant 0 : i32
    %sign3A_109 = arith.cmpi slt, %jit3A, %sign3A_108 : i32
    %sign3A_110 = arith.extui %sign3A_109 : i1 to i32
    %sign3A_111 = arith.subi %sign3A_107, %sign3A_110 : i32
    %ne3A = vector.broadcast %sign3A_111 : i32 to vector<8x8xi32>
    %ne3A_112 = arith.cmpi ne, %sign3A_104, %ne3A : vector<8x8xi32>
    %rem3A = vector.broadcast %jit3A : i32 to vector<8x8xi32>
    %rem3A_113 = arith.remsi %iota3A, %rem3A : vector<8x8xi32>
    %ne3A_114 = arith.constant 0 : i32
    %ne3A_115 = vector.broadcast %ne3A_114 : i32 to vector<8x8xi32>
    %ne3A_116 = arith.cmpi ne, %rem3A_113, %ne3A_115 : vector<8x8xi32>
    %and3A = arith.andi %ne3A_112, %ne3A_116 : vector<8x8xi1>
    %sub3A_117 = arith.constant 1 : i32
    %sub3A_118 = vector.broadcast %sub3A_117 : i32 to vector<8x8xi32>
    %sub3A_119 = arith.subi %div3A_96, %sub3A_118 : vector<8x8xi32>
    %select_n3A = arith.select %and3A, %sub3A_119, %div3A_96 : vector<8x8xi1>, vector<8x8xi32>
    %jit3A_120 = arith.constant 2 : i32
    %div3A_121 = vector.broadcast %jit3A_120 : i32 to vector<8x8xi32>
    %div3A_122 = arith.divsi %iota3A_94, %div3A_121 : vector<8x8xi32>
    %sign3A_123 = arith.constant 0 : i32
    %sign3A_124 = vector.broadcast %sign3A_123 : i32 to vector<8x8xi32>
    %sign3A_125 = arith.cmpi sgt, %iota3A_94, %sign3A_124 : vector<8x8xi32>
    %sign3A_126 = arith.extui %sign3A_125 : vector<8x8xi1> to vector<8x8xi32>
    %sign3A_127 = arith.constant 0 : i32
    %sign3A_128 = vector.broadcast %sign3A_127 : i32 to vector<8x8xi32>
    %sign3A_129 = arith.cmpi slt, %iota3A_94, %sign3A_128 : vector<8x8xi32>
    %sign3A_130 = arith.extui %sign3A_129 : vector<8x8xi1> to vector<8x8xi32>
    %sign3A_131 = arith.subi %sign3A_126, %sign3A_130 : vector<8x8xi32>
    %sign3A_132 = arith.constant 0 : i32
    %sign3A_133 = arith.cmpi sgt, %jit3A_120, %sign3A_132 : i32
    %sign3A_134 = arith.extui %sign3A_133 : i1 to i32
    %sign3A_135 = arith.constant 0 : i32
    %sign3A_136 = arith.cmpi slt, %jit3A_120, %sign3A_135 : i32
    %sign3A_137 = arith.extui %sign3A_136 : i1 to i32
    %sign3A_138 = arith.subi %sign3A_134, %sign3A_137 : i32
    %ne3A_139 = vector.broadcast %sign3A_138 : i32 to vector<8x8xi32>
    %ne3A_140 = arith.cmpi ne, %sign3A_131, %ne3A_139 : vector<8x8xi32>
    %rem3A_141 = vector.broadcast %jit3A_120 : i32 to vector<8x8xi32>
    %rem3A_142 = arith.remsi %iota3A_94, %rem3A_141 : vector<8x8xi32>
    %ne3A_143 = arith.constant 0 : i32
    %ne3A_144 = vector.broadcast %ne3A_143 : i32 to vector<8x8xi32>
    %ne3A_145 = arith.cmpi ne, %rem3A_142, %ne3A_144 : vector<8x8xi32>
    %and3A_146 = arith.andi %ne3A_140, %ne3A_145 : vector<8x8xi1>
    %sub3A_147 = arith.constant 1 : i32
    %sub3A_148 = vector.broadcast %sub3A_147 : i32 to vector<8x8xi32>
    %sub3A_149 = arith.subi %div3A_122, %sub3A_148 : vector<8x8xi32>
    %select_n3A_150 = arith.select %and3A_146, %sub3A_149, %div3A_122 : vector<8x8xi1>, vector<8x8xi32>
    %eq3A = arith.cmpi eq, %select_n3A, %select_n3A_150 : vector<8x8xi32>
    %convert_element_type3A = arith.extui %eq3A : vector<8x8xi1> to vector<8x8xi32>
    %convert_element_type3A_151 = arith.sitofp %convert_element_type3A : vector<8x8xi32> to vector<8x8xf32>
    %dot_general3A_152 = arith.constant dense<0.000000e+00> : vector<512x8xf32>
    %dot_general3A_153 = tpu.matmul %exp3A_93, %convert_element_type3A_151, %dot_general3A_152 {dimension_numbers = #tpu.dot_dimension_numbers<[1], [0], [0], [1], [0, 0, 1, 1], [], []>, transpose_lhs_hint = false} : vector<512x8xf32>, vector<8x8xf32>, vector<512x8xf32> -> vector<512x8xf32>
    %div3A_154 = arith.divf %exp3A_93, %dot_general3A_153 : vector<512x8xf32>
    %iota3A_155 = tpu.iota {dimensions = array<i32: 0>} : vector<4x8xi32>
    %iota3A_156 = tpu.iota {dimensions = array<i32: 1>} : vector<4x8xi32>
    %jit3A_157 = arith.constant 2 : i32
    %div3A_158 = vector.broadcast %jit3A_157 : i32 to vector<4x8xi32>
    %div3A_159 = arith.divsi %iota3A_156, %div3A_158 : vector<4x8xi32>
    %sign3A_160 = arith.constant 0 : i32
    %sign3A_161 = vector.broadcast %sign3A_160 : i32 to vector<4x8xi32>
    %sign3A_162 = arith.cmpi sgt, %iota3A_156, %sign3A_161 : vector<4x8xi32>
    %sign3A_163 = arith.extui %sign3A_162 : vector<4x8xi1> to vector<4x8xi32>
    %sign3A_164 = arith.constant 0 : i32
    %sign3A_165 = vector.broadcast %sign3A_164 : i32 to vector<4x8xi32>
    %sign3A_166 = arith.cmpi slt, %iota3A_156, %sign3A_165 : vector<4x8xi32>
    %sign3A_167 = arith.extui %sign3A_166 : vector<4x8xi1> to vector<4x8xi32>
    %sign3A_168 = arith.subi %sign3A_163, %sign3A_167 : vector<4x8xi32>
    %sign3A_169 = arith.constant 0 : i32
    %sign3A_170 = arith.cmpi sgt, %jit3A_157, %sign3A_169 : i32
    %sign3A_171 = arith.extui %sign3A_170 : i1 to i32
    %sign3A_172 = arith.constant 0 : i32
    %sign3A_173 = arith.cmpi slt, %jit3A_157, %sign3A_172 : i32
    %sign3A_174 = arith.extui %sign3A_173 : i1 to i32
    %sign3A_175 = arith.subi %sign3A_171, %sign3A_174 : i32
    %ne3A_176 = vector.broadcast %sign3A_175 : i32 to vector<4x8xi32>
    %ne3A_177 = arith.cmpi ne, %sign3A_168, %ne3A_176 : vector<4x8xi32>
    %rem3A_178 = vector.broadcast %jit3A_157 : i32 to vector<4x8xi32>
    %rem3A_179 = arith.remsi %iota3A_156, %rem3A_178 : vector<4x8xi32>
    %ne3A_180 = arith.constant 0 : i32
    %ne3A_181 = vector.broadcast %ne3A_180 : i32 to vector<4x8xi32>
    %ne3A_182 = arith.cmpi ne, %rem3A_179, %ne3A_181 : vector<4x8xi32>
    %and3A_183 = arith.andi %ne3A_177, %ne3A_182 : vector<4x8xi1>
    %sub3A_184 = arith.constant 1 : i32
    %sub3A_185 = vector.broadcast %sub3A_184 : i32 to vector<4x8xi32>
    %sub3A_186 = arith.subi %div3A_159, %sub3A_185 : vector<4x8xi32>
    %select_n3A_187 = arith.select %and3A_183, %sub3A_186, %div3A_159 : vector<4x8xi1>, vector<4x8xi32>
    %eq3A_188 = arith.cmpi eq, %select_n3A_187, %iota3A_155 : vector<4x8xi32>
    %convert_element_type3A_189 = arith.extui %eq3A_188 : vector<4x8xi1> to vector<4x8xi32>
    %convert_element_type3A_190 = arith.sitofp %convert_element_type3A_189 : vector<4x8xi32> to vector<4x8xf32>
    %dot_general3A_191 = arith.constant dense<0.000000e+00> : vector<512x8xf32>
    %dot_general3A_192 = tpu.matmul %div3A_87, %convert_element_type3A_190, %dot_general3A_191 {dimension_numbers = #tpu.dot_dimension_numbers<[1], [0], [0], [1], [0, 0, 1, 1], [], []>, transpose_lhs_hint = false} : vector<512x4xf32>, vector<4x8xf32>, vector<512x8xf32> -> vector<512x8xf32>
    %mul3A_193 = arith.mulf %dot_general3A_192, %div3A_154 : vector<512x8xf32>
    %dot_general3A_194 = arith.constant dense<0.000000e+00> : vector<512x8xf32>
    %dot_general3A_195 = tpu.matmul %add3A_68, %convert_element_type3A_190, %dot_general3A_194 {dimension_numbers = #tpu.dot_dimension_numbers<[1], [0], [0], [1], [0, 0, 1, 1], [], []>, transpose_lhs_hint = false} : vector<512x4xf32>, vector<4x8xf32>, vector<512x8xf32> -> vector<512x8xf32>
    %add3A_196 = arith.addf %dot_general3A_195, %add3A_78 : vector<512x8xf32>
    %get3A_197 = arith.constant 0 : index
    %get3A_198 = arith.constant 0 : index
    %get3A_199 = vector.load %arg15[%get3A_197, %get3A_198] : memref<8x256xf32, #tpu.memory_space<vmem>>, vector<8x256xf32>
    %dot_general3A_200 = arith.constant dense<0.000000e+00> : vector<512x256xf32>
    %dot_general3A_201 = tpu.matmul %mul3A_193, %get3A_199, %dot_general3A_200 {dimension_numbers = #tpu.dot_dimension_numbers<[1], [0], [0], [1], [0, 0, 1, 1], [], []>, transpose_lhs_hint = false} : vector<512x8xf32>, vector<8x256xf32>, vector<512x256xf32> -> vector<512x256xf32>
    %get3A_202 = arith.constant 0 : index
    %get3A_203 = arith.constant 0 : index
    %get3A_204 = arith.constant 0 : index
    %get3A_205 = vector.load %arg12[%get3A_202, %get3A_203, %get3A_204] : memref<8x256x512xf32, #tpu.memory_space<vmem>>, vector<1x256x512xf32>
    %get3A_206 = vector.shape_cast %get3A_205 : vector<1x256x512xf32> to vector<256x512xf32>
    %dot_general3A_207 = arith.constant dense<0.000000e+00> : vector<512x512xf32>
    %dot_general3A_208 = tpu.matmul %add3A_28, %get3A_206, %dot_general3A_207 {dimension_numbers = #tpu.dot_dimension_numbers<[1], [0], [0], [1], [0, 0, 1, 1], [], []>, transpose_lhs_hint = false} : vector<512x256xf32>, vector<256x512xf32>, vector<512x512xf32> -> vector<512x512xf32>
    %get3A_209 = arith.constant 0 : index
    %get3A_210 = arith.constant 0 : index
    %get3A_211 = vector.load %arg13[%get3A_209, %get3A_210] : memref<8x512xf32, #tpu.memory_space<vmem>>, vector<1x512xf32>
    %add3A_212 = vector.broadcast %get3A_211 : vector<1x512xf32> to vector<512x512xf32>
    %add3A_213 = arith.addf %dot_general3A_208, %add3A_212 : vector<512x512xf32>
    %integer_pow3A_214 = arith.mulf %add3A_213, %add3A_213 : vector<512x512xf32>
    %integer_pow3A_215 = arith.mulf %add3A_213, %integer_pow3A_214 : vector<512x512xf32>
    %mul3A_216 = arith.constant 4.471500e-02 : f32
    %mul3A_217 = vector.broadcast %mul3A_216 : f32 to vector<512x512xf32>
    %mul3A_218 = arith.mulf %mul3A_217, %integer_pow3A_215 : vector<512x512xf32>
    %add3A_219 = arith.addf %add3A_213, %mul3A_218 : vector<512x512xf32>
    %mul3A_220 = arith.constant 0.797884583 : f32
    %mul3A_221 = vector.broadcast %mul3A_220 : f32 to vector<512x512xf32>
    %mul3A_222 = arith.mulf %mul3A_221, %add3A_219 : vector<512x512xf32>
    %tanh3A_223 = math.tanh %mul3A_222 : vector<512x512xf32>
    %add3A_224 = arith.constant 1.000000e+00 : f32
    %add3A_225 = vector.broadcast %add3A_224 : f32 to vector<512x512xf32>
    %add3A_226 = arith.addf %add3A_225, %tanh3A_223 : vector<512x512xf32>
    %mul3A_227 = arith.constant 5.000000e-01 : f32
    %mul3A_228 = vector.broadcast %mul3A_227 : f32 to vector<512x512xf32>
    %mul3A_229 = arith.mulf %mul3A_228, %add3A_226 : vector<512x512xf32>
    %mul3A_230 = arith.mulf %add3A_213, %mul3A_229 : vector<512x512xf32>
    %slice3A = vector.extract_strided_slice %mul3A_193 {offsets = [0, 0], sizes = [512, 1], strides = [1, 1]} : vector<512x8xf32> to vector<512x1xf32>
    %mul3A_231 = vector.broadcast %slice3A : vector<512x1xf32> to vector<512x512xf32>
    %mul3A_232 = arith.mulf %mul3A_230, %mul3A_231 : vector<512x512xf32>
    %get3A_233 = arith.constant 0 : index
    %get3A_234 = arith.constant 0 : index
    %get3A_235 = arith.constant 0 : index
    %get3A_236 = vector.load %arg14[%get3A_233, %get3A_234, %get3A_235] : memref<8x512x256xf32, #tpu.memory_space<vmem>>, vector<1x512x256xf32>
    %get3A_237 = vector.shape_cast %get3A_236 : vector<1x512x256xf32> to vector<512x256xf32>
    %dot_general3A_238 = arith.constant dense<0.000000e+00> : vector<512x256xf32>
    %dot_general3A_239 = tpu.matmul %mul3A_232, %get3A_237, %dot_general3A_238 {dimension_numbers = #tpu.dot_dimension_numbers<[1], [0], [0], [1], [0, 0, 1, 1], [], []>, transpose_lhs_hint = false} : vector<512x512xf32>, vector<512x256xf32>, vector<512x256xf32> -> vector<512x256xf32>
    %add3A_240 = arith.addf %dot_general3A_201, %dot_general3A_239 : vector<512x256xf32>
    %get3A_241 = arith.constant 1 : index
    %get3A_242 = arith.constant 0 : index
    %get3A_243 = arith.constant 0 : index
    %get3A_244 = vector.load %arg12[%get3A_241, %get3A_242, %get3A_243] : memref<8x256x512xf32, #tpu.memory_space<vmem>>, vector<1x256x512xf32>
    %get3A_245 = vector.shape_cast %get3A_244 : vector<1x256x512xf32> to vector<256x512xf32>
    %dot_general3A_246 = arith.constant dense<0.000000e+00> : vector<512x512xf32>
    %dot_general3A_247 = tpu.matmul %add3A_28, %get3A_245, %dot_general3A_246 {dimension_numbers = #tpu.dot_dimension_numbers<[1], [0], [0], [1], [0, 0, 1, 1], [], []>, transpose_lhs_hint = false} : vector<512x256xf32>, vector<256x512xf32>, vector<512x512xf32> -> vector<512x512xf32>
    %get3A_248 = arith.constant 1 : index
    %get3A_249 = arith.constant 0 : index
    %get3A_250 = vector.load %arg13[%get3A_248, %get3A_249] : memref<8x512xf32, #tpu.memory_space<vmem>>, vector<1x512xf32>
    %add3A_251 = vector.broadcast %get3A_250 : vector<1x512xf32> to vector<512x512xf32>
    %add3A_252 = arith.addf %dot_general3A_247, %add3A_251 : vector<512x512xf32>
    %integer_pow3A_253 = arith.mulf %add3A_252, %add3A_252 : vector<512x512xf32>
    %integer_pow3A_254 = arith.mulf %add3A_252, %integer_pow3A_253 : vector<512x512xf32>
    %mul3A_255 = arith.constant 4.471500e-02 : f32
    %mul3A_256 = vector.broadcast %mul3A_255 : f32 to vector<512x512xf32>
    %mul3A_257 = arith.mulf %mul3A_256, %integer_pow3A_254 : vector<512x512xf32>
    %add3A_258 = arith.addf %add3A_252, %mul3A_257 : vector<512x512xf32>
    %mul3A_259 = arith.constant 0.797884583 : f32
    %mul3A_260 = vector.broadcast %mul3A_259 : f32 to vector<512x512xf32>
    %mul3A_261 = arith.mulf %mul3A_260, %add3A_258 : vector<512x512xf32>
    %tanh3A_262 = math.tanh %mul3A_261 : vector<512x512xf32>
    %add3A_263 = arith.constant 1.000000e+00 : f32
    %add3A_264 = vector.broadcast %add3A_263 : f32 to vector<512x512xf32>
    %add3A_265 = arith.addf %add3A_264, %tanh3A_262 : vector<512x512xf32>
    %mul3A_266 = arith.constant 5.000000e-01 : f32
    %mul3A_267 = vector.broadcast %mul3A_266 : f32 to vector<512x512xf32>
    %mul3A_268 = arith.mulf %mul3A_267, %add3A_265 : vector<512x512xf32>
    %mul3A_269 = arith.mulf %add3A_252, %mul3A_268 : vector<512x512xf32>
    %slice3A_270 = vector.extract_strided_slice %mul3A_193 {offsets = [0, 1], sizes = [512, 1], strides = [1, 1]} : vector<512x8xf32> to vector<512x1xf32>
    %mul3A_271 = vector.broadcast %slice3A_270 : vector<512x1xf32> to vector<512x512xf32>
    %mul3A_272 = arith.mulf %mul3A_269, %mul3A_271 : vector<512x512xf32>
    %get3A_273 = arith.constant 1 : index
    %get3A_274 = arith.constant 0 : index
    %get3A_275 = arith.constant 0 : index
    %get3A_276 = vector.load %arg14[%get3A_273, %get3A_274, %get3A_275] : memref<8x512x256xf32, #tpu.memory_space<vmem>>, vector<1x512x256xf32>
    %get3A_277 = vector.shape_cast %get3A_276 : vector<1x512x256xf32> to vector<512x256xf32>
    %dot_general3A_278 = arith.constant dense<0.000000e+00> : vector<512x256xf32>
    %dot_general3A_279 = tpu.matmul %mul3A_272, %get3A_277, %dot_general3A_278 {dimension_numbers = #tpu.dot_dimension_numbers<[1], [0], [0], [1], [0, 0, 1, 1], [], []>, transpose_lhs_hint = false} : vector<512x512xf32>, vector<512x256xf32>, vector<512x256xf32> -> vector<512x256xf32>
    %add3A_280 = arith.addf %add3A_240, %dot_general3A_279 : vector<512x256xf32>
    %get3A_281 = arith.constant 2 : index
    %get3A_282 = arith.constant 0 : index
    %get3A_283 = arith.constant 0 : index
    %get3A_284 = vector.load %arg12[%get3A_281, %get3A_282, %get3A_283] : memref<8x256x512xf32, #tpu.memory_space<vmem>>, vector<1x256x512xf32>
    %get3A_285 = vector.shape_cast %get3A_284 : vector<1x256x512xf32> to vector<256x512xf32>
    %dot_general3A_286 = arith.constant dense<0.000000e+00> : vector<512x512xf32>
    %dot_general3A_287 = tpu.matmul %add3A_28, %get3A_285, %dot_general3A_286 {dimension_numbers = #tpu.dot_dimension_numbers<[1], [0], [0], [1], [0, 0, 1, 1], [], []>, transpose_lhs_hint = false} : vector<512x256xf32>, vector<256x512xf32>, vector<512x512xf32> -> vector<512x512xf32>
    %get3A_288 = arith.constant 2 : index
    %get3A_289 = arith.constant 0 : index
    %get3A_290 = vector.load %arg13[%get3A_288, %get3A_289] : memref<8x512xf32, #tpu.memory_space<vmem>>, vector<1x512xf32>
    %add3A_291 = vector.broadcast %get3A_290 : vector<1x512xf32> to vector<512x512xf32>
    %add3A_292 = arith.addf %dot_general3A_287, %add3A_291 : vector<512x512xf32>
    %integer_pow3A_293 = arith.mulf %add3A_292, %add3A_292 : vector<512x512xf32>
    %integer_pow3A_294 = arith.mulf %add3A_292, %integer_pow3A_293 : vector<512x512xf32>
    %mul3A_295 = arith.constant 4.471500e-02 : f32
    %mul3A_296 = vector.broadcast %mul3A_295 : f32 to vector<512x512xf32>
    %mul3A_297 = arith.mulf %mul3A_296, %integer_pow3A_294 : vector<512x512xf32>
    %add3A_298 = arith.addf %add3A_292, %mul3A_297 : vector<512x512xf32>
    %mul3A_299 = arith.constant 0.797884583 : f32
    %mul3A_300 = vector.broadcast %mul3A_299 : f32 to vector<512x512xf32>
    %mul3A_301 = arith.mulf %mul3A_300, %add3A_298 : vector<512x512xf32>
    %tanh3A_302 = math.tanh %mul3A_301 : vector<512x512xf32>
    %add3A_303 = arith.constant 1.000000e+00 : f32
    %add3A_304 = vector.broadcast %add3A_303 : f32 to vector<512x512xf32>
    %add3A_305 = arith.addf %add3A_304, %tanh3A_302 : vector<512x512xf32>
    %mul3A_306 = arith.constant 5.000000e-01 : f32
    %mul3A_307 = vector.broadcast %mul3A_306 : f32 to vector<512x512xf32>
    %mul3A_308 = arith.mulf %mul3A_307, %add3A_305 : vector<512x512xf32>
    %mul3A_309 = arith.mulf %add3A_292, %mul3A_308 : vector<512x512xf32>
    %slice3A_310 = vector.extract_strided_slice %mul3A_193 {offsets = [0, 2], sizes = [512, 1], strides = [1, 1]} : vector<512x8xf32> to vector<512x1xf32>
    %mul3A_311 = vector.broadcast %slice3A_310 : vector<512x1xf32> to vector<512x512xf32>
    %mul3A_312 = arith.mulf %mul3A_309, %mul3A_311 : vector<512x512xf32>
    %get3A_313 = arith.constant 2 : index
    %get3A_314 = arith.constant 0 : index
    %get3A_315 = arith.constant 0 : index
    %get3A_316 = vector.load %arg14[%get3A_313, %get3A_314, %get3A_315] : memref<8x512x256xf32, #tpu.memory_space<vmem>>, vector<1x512x256xf32>
    %get3A_317 = vector.shape_cast %get3A_316 : vector<1x512x256xf32> to vector<512x256xf32>
    %dot_general3A_318 = arith.constant dense<0.000000e+00> : vector<512x256xf32>
    %dot_general3A_319 = tpu.matmul %mul3A_312, %get3A_317, %dot_general3A_318 {dimension_numbers = #tpu.dot_dimension_numbers<[1], [0], [0], [1], [0, 0, 1, 1], [], []>, transpose_lhs_hint = false} : vector<512x512xf32>, vector<512x256xf32>, vector<512x256xf32> -> vector<512x256xf32>
    %add3A_320 = arith.addf %add3A_280, %dot_general3A_319 : vector<512x256xf32>
    %get3A_321 = arith.constant 3 : index
    %get3A_322 = arith.constant 0 : index
    %get3A_323 = arith.constant 0 : index
    %get3A_324 = vector.load %arg12[%get3A_321, %get3A_322, %get3A_323] : memref<8x256x512xf32, #tpu.memory_space<vmem>>, vector<1x256x512xf32>
    %get3A_325 = vector.shape_cast %get3A_324 : vector<1x256x512xf32> to vector<256x512xf32>
    %dot_general3A_326 = arith.constant dense<0.000000e+00> : vector<512x512xf32>
    %dot_general3A_327 = tpu.matmul %add3A_28, %get3A_325, %dot_general3A_326 {dimension_numbers = #tpu.dot_dimension_numbers<[1], [0], [0], [1], [0, 0, 1, 1], [], []>, transpose_lhs_hint = false} : vector<512x256xf32>, vector<256x512xf32>, vector<512x512xf32> -> vector<512x512xf32>
    %get3A_328 = arith.constant 3 : index
    %get3A_329 = arith.constant 0 : index
    %get3A_330 = vector.load %arg13[%get3A_328, %get3A_329] : memref<8x512xf32, #tpu.memory_space<vmem>>, vector<1x512xf32>
    %add3A_331 = vector.broadcast %get3A_330 : vector<1x512xf32> to vector<512x512xf32>
    %add3A_332 = arith.addf %dot_general3A_327, %add3A_331 : vector<512x512xf32>
    %integer_pow3A_333 = arith.mulf %add3A_332, %add3A_332 : vector<512x512xf32>
    %integer_pow3A_334 = arith.mulf %add3A_332, %integer_pow3A_333 : vector<512x512xf32>
    %mul3A_335 = arith.constant 4.471500e-02 : f32
    %mul3A_336 = vector.broadcast %mul3A_335 : f32 to vector<512x512xf32>
    %mul3A_337 = arith.mulf %mul3A_336, %integer_pow3A_334 : vector<512x512xf32>
    %add3A_338 = arith.addf %add3A_332, %mul3A_337 : vector<512x512xf32>
    %mul3A_339 = arith.constant 0.797884583 : f32
    %mul3A_340 = vector.broadcast %mul3A_339 : f32 to vector<512x512xf32>
    %mul3A_341 = arith.mulf %mul3A_340, %add3A_338 : vector<512x512xf32>
    %tanh3A_342 = math.tanh %mul3A_341 : vector<512x512xf32>
    %add3A_343 = arith.constant 1.000000e+00 : f32
    %add3A_344 = vector.broadcast %add3A_343 : f32 to vector<512x512xf32>
    %add3A_345 = arith.addf %add3A_344, %tanh3A_342 : vector<512x512xf32>
    %mul3A_346 = arith.constant 5.000000e-01 : f32
    %mul3A_347 = vector.broadcast %mul3A_346 : f32 to vector<512x512xf32>
    %mul3A_348 = arith.mulf %mul3A_347, %add3A_345 : vector<512x512xf32>
    %mul3A_349 = arith.mulf %add3A_332, %mul3A_348 : vector<512x512xf32>
    %slice3A_350 = vector.extract_strided_slice %mul3A_193 {offsets = [0, 3], sizes = [512, 1], strides = [1, 1]} : vector<512x8xf32> to vector<512x1xf32>
    %mul3A_351 = vector.broadcast %slice3A_350 : vector<512x1xf32> to vector<512x512xf32>
    %mul3A_352 = arith.mulf %mul3A_349, %mul3A_351 : vector<512x512xf32>
    %get3A_353 = arith.constant 3 : index
    %get3A_354 = arith.constant 0 : index
    %get3A_355 = arith.constant 0 : index
    %get3A_356 = vector.load %arg14[%get3A_353, %get3A_354, %get3A_355] : memref<8x512x256xf32, #tpu.memory_space<vmem>>, vector<1x512x256xf32>
    %get3A_357 = vector.shape_cast %get3A_356 : vector<1x512x256xf32> to vector<512x256xf32>
    %dot_general3A_358 = arith.constant dense<0.000000e+00> : vector<512x256xf32>
    %dot_general3A_359 = tpu.matmul %mul3A_352, %get3A_357, %dot_general3A_358 {dimension_numbers = #tpu.dot_dimension_numbers<[1], [0], [0], [1], [0, 0, 1, 1], [], []>, transpose_lhs_hint = false} : vector<512x512xf32>, vector<512x256xf32>, vector<512x256xf32> -> vector<512x256xf32>
    %add3A_360 = arith.addf %add3A_320, %dot_general3A_359 : vector<512x256xf32>
    %get3A_361 = arith.constant 4 : index
    %get3A_362 = arith.constant 0 : index
    %get3A_363 = arith.constant 0 : index
    %get3A_364 = vector.load %arg12[%get3A_361, %get3A_362, %get3A_363] : memref<8x256x512xf32, #tpu.memory_space<vmem>>, vector<1x256x512xf32>
    %get3A_365 = vector.shape_cast %get3A_364 : vector<1x256x512xf32> to vector<256x512xf32>
    %dot_general3A_366 = arith.constant dense<0.000000e+00> : vector<512x512xf32>
    %dot_general3A_367 = tpu.matmul %add3A_28, %get3A_365, %dot_general3A_366 {dimension_numbers = #tpu.dot_dimension_numbers<[1], [0], [0], [1], [0, 0, 1, 1], [], []>, transpose_lhs_hint = false} : vector<512x256xf32>, vector<256x512xf32>, vector<512x512xf32> -> vector<512x512xf32>
    %get3A_368 = arith.constant 4 : index
    %get3A_369 = arith.constant 0 : index
    %get3A_370 = vector.load %arg13[%get3A_368, %get3A_369] : memref<8x512xf32, #tpu.memory_space<vmem>>, vector<1x512xf32>
    %add3A_371 = vector.broadcast %get3A_370 : vector<1x512xf32> to vector<512x512xf32>
    %add3A_372 = arith.addf %dot_general3A_367, %add3A_371 : vector<512x512xf32>
    %integer_pow3A_373 = arith.mulf %add3A_372, %add3A_372 : vector<512x512xf32>
    %integer_pow3A_374 = arith.mulf %add3A_372, %integer_pow3A_373 : vector<512x512xf32>
    %mul3A_375 = arith.constant 4.471500e-02 : f32
    %mul3A_376 = vector.broadcast %mul3A_375 : f32 to vector<512x512xf32>
    %mul3A_377 = arith.mulf %mul3A_376, %integer_pow3A_374 : vector<512x512xf32>
    %add3A_378 = arith.addf %add3A_372, %mul3A_377 : vector<512x512xf32>
    %mul3A_379 = arith.constant 0.797884583 : f32
    %mul3A_380 = vector.broadcast %mul3A_379 : f32 to vector<512x512xf32>
    %mul3A_381 = arith.mulf %mul3A_380, %add3A_378 : vector<512x512xf32>
    %tanh3A_382 = math.tanh %mul3A_381 : vector<512x512xf32>
    %add3A_383 = arith.constant 1.000000e+00 : f32
    %add3A_384 = vector.broadcast %add3A_383 : f32 to vector<512x512xf32>
    %add3A_385 = arith.addf %add3A_384, %tanh3A_382 : vector<512x512xf32>
    %mul3A_386 = arith.constant 5.000000e-01 : f32
    %mul3A_387 = vector.broadcast %mul3A_386 : f32 to vector<512x512xf32>
    %mul3A_388 = arith.mulf %mul3A_387, %add3A_385 : vector<512x512xf32>
    %mul3A_389 = arith.mulf %add3A_372, %mul3A_388 : vector<512x512xf32>
    %slice3A_390 = vector.extract_strided_slice %mul3A_193 {offsets = [0, 4], sizes = [512, 1], strides = [1, 1]} : vector<512x8xf32> to vector<512x1xf32>
    %mul3A_391 = vector.broadcast %slice3A_390 : vector<512x1xf32> to vector<512x512xf32>
    %mul3A_392 = arith.mulf %mul3A_389, %mul3A_391 : vector<512x512xf32>
    %get3A_393 = arith.constant 4 : index
    %get3A_394 = arith.constant 0 : index
    %get3A_395 = arith.constant 0 : index
    %get3A_396 = vector.load %arg14[%get3A_393, %get3A_394, %get3A_395] : memref<8x512x256xf32, #tpu.memory_space<vmem>>, vector<1x512x256xf32>
    %get3A_397 = vector.shape_cast %get3A_396 : vector<1x512x256xf32> to vector<512x256xf32>
    %dot_general3A_398 = arith.constant dense<0.000000e+00> : vector<512x256xf32>
    %dot_general3A_399 = tpu.matmul %mul3A_392, %get3A_397, %dot_general3A_398 {dimension_numbers = #tpu.dot_dimension_numbers<[1], [0], [0], [1], [0, 0, 1, 1], [], []>, transpose_lhs_hint = false} : vector<512x512xf32>, vector<512x256xf32>, vector<512x256xf32> -> vector<512x256xf32>
    %add3A_400 = arith.addf %add3A_360, %dot_general3A_399 : vector<512x256xf32>
    %get3A_401 = arith.constant 5 : index
    %get3A_402 = arith.constant 0 : index
    %get3A_403 = arith.constant 0 : index
    %get3A_404 = vector.load %arg12[%get3A_401, %get3A_402, %get3A_403] : memref<8x256x512xf32, #tpu.memory_space<vmem>>, vector<1x256x512xf32>
    %get3A_405 = vector.shape_cast %get3A_404 : vector<1x256x512xf32> to vector<256x512xf32>
    %dot_general3A_406 = arith.constant dense<0.000000e+00> : vector<512x512xf32>
    %dot_general3A_407 = tpu.matmul %add3A_28, %get3A_405, %dot_general3A_406 {dimension_numbers = #tpu.dot_dimension_numbers<[1], [0], [0], [1], [0, 0, 1, 1], [], []>, transpose_lhs_hint = false} : vector<512x256xf32>, vector<256x512xf32>, vector<512x512xf32> -> vector<512x512xf32>
    %get3A_408 = arith.constant 5 : index
    %get3A_409 = arith.constant 0 : index
    %get3A_410 = vector.load %arg13[%get3A_408, %get3A_409] : memref<8x512xf32, #tpu.memory_space<vmem>>, vector<1x512xf32>
    %add3A_411 = vector.broadcast %get3A_410 : vector<1x512xf32> to vector<512x512xf32>
    %add3A_412 = arith.addf %dot_general3A_407, %add3A_411 : vector<512x512xf32>
    %integer_pow3A_413 = arith.mulf %add3A_412, %add3A_412 : vector<512x512xf32>
    %integer_pow3A_414 = arith.mulf %add3A_412, %integer_pow3A_413 : vector<512x512xf32>
    %mul3A_415 = arith.constant 4.471500e-02 : f32
    %mul3A_416 = vector.broadcast %mul3A_415 : f32 to vector<512x512xf32>
    %mul3A_417 = arith.mulf %mul3A_416, %integer_pow3A_414 : vector<512x512xf32>
    %add3A_418 = arith.addf %add3A_412, %mul3A_417 : vector<512x512xf32>
    %mul3A_419 = arith.constant 0.797884583 : f32
    %mul3A_420 = vector.broadcast %mul3A_419 : f32 to vector<512x512xf32>
    %mul3A_421 = arith.mulf %mul3A_420, %add3A_418 : vector<512x512xf32>
    %tanh3A_422 = math.tanh %mul3A_421 : vector<512x512xf32>
    %add3A_423 = arith.constant 1.000000e+00 : f32
    %add3A_424 = vector.broadcast %add3A_423 : f32 to vector<512x512xf32>
    %add3A_425 = arith.addf %add3A_424, %tanh3A_422 : vector<512x512xf32>
    %mul3A_426 = arith.constant 5.000000e-01 : f32
    %mul3A_427 = vector.broadcast %mul3A_426 : f32 to vector<512x512xf32>
    %mul3A_428 = arith.mulf %mul3A_427, %add3A_425 : vector<512x512xf32>
    %mul3A_429 = arith.mulf %add3A_412, %mul3A_428 : vector<512x512xf32>
    %slice3A_430 = vector.extract_strided_slice %mul3A_193 {offsets = [0, 5], sizes = [512, 1], strides = [1, 1]} : vector<512x8xf32> to vector<512x1xf32>
    %mul3A_431 = vector.broadcast %slice3A_430 : vector<512x1xf32> to vector<512x512xf32>
    %mul3A_432 = arith.mulf %mul3A_429, %mul3A_431 : vector<512x512xf32>
    %get3A_433 = arith.constant 5 : index
    %get3A_434 = arith.constant 0 : index
    %get3A_435 = arith.constant 0 : index
    %get3A_436 = vector.load %arg14[%get3A_433, %get3A_434, %get3A_435] : memref<8x512x256xf32, #tpu.memory_space<vmem>>, vector<1x512x256xf32>
    %get3A_437 = vector.shape_cast %get3A_436 : vector<1x512x256xf32> to vector<512x256xf32>
    %dot_general3A_438 = arith.constant dense<0.000000e+00> : vector<512x256xf32>
    %dot_general3A_439 = tpu.matmul %mul3A_432, %get3A_437, %dot_general3A_438 {dimension_numbers = #tpu.dot_dimension_numbers<[1], [0], [0], [1], [0, 0, 1, 1], [], []>, transpose_lhs_hint = false} : vector<512x512xf32>, vector<512x256xf32>, vector<512x256xf32> -> vector<512x256xf32>
    %add3A_440 = arith.addf %add3A_400, %dot_general3A_439 : vector<512x256xf32>
    %get3A_441 = arith.constant 6 : index
    %get3A_442 = arith.constant 0 : index
    %get3A_443 = arith.constant 0 : index
    %get3A_444 = vector.load %arg12[%get3A_441, %get3A_442, %get3A_443] : memref<8x256x512xf32, #tpu.memory_space<vmem>>, vector<1x256x512xf32>
    %get3A_445 = vector.shape_cast %get3A_444 : vector<1x256x512xf32> to vector<256x512xf32>
    %dot_general3A_446 = arith.constant dense<0.000000e+00> : vector<512x512xf32>
    %dot_general3A_447 = tpu.matmul %add3A_28, %get3A_445, %dot_general3A_446 {dimension_numbers = #tpu.dot_dimension_numbers<[1], [0], [0], [1], [0, 0, 1, 1], [], []>, transpose_lhs_hint = false} : vector<512x256xf32>, vector<256x512xf32>, vector<512x512xf32> -> vector<512x512xf32>
    %get3A_448 = arith.constant 6 : index
    %get3A_449 = arith.constant 0 : index
    %get3A_450 = vector.load %arg13[%get3A_448, %get3A_449] : memref<8x512xf32, #tpu.memory_space<vmem>>, vector<1x512xf32>
    %add3A_451 = vector.broadcast %get3A_450 : vector<1x512xf32> to vector<512x512xf32>
    %add3A_452 = arith.addf %dot_general3A_447, %add3A_451 : vector<512x512xf32>
    %integer_pow3A_453 = arith.mulf %add3A_452, %add3A_452 : vector<512x512xf32>
    %integer_pow3A_454 = arith.mulf %add3A_452, %integer_pow3A_453 : vector<512x512xf32>
    %mul3A_455 = arith.constant 4.471500e-02 : f32
    %mul3A_456 = vector.broadcast %mul3A_455 : f32 to vector<512x512xf32>
    %mul3A_457 = arith.mulf %mul3A_456, %integer_pow3A_454 : vector<512x512xf32>
    %add3A_458 = arith.addf %add3A_452, %mul3A_457 : vector<512x512xf32>
    %mul3A_459 = arith.constant 0.797884583 : f32
    %mul3A_460 = vector.broadcast %mul3A_459 : f32 to vector<512x512xf32>
    %mul3A_461 = arith.mulf %mul3A_460, %add3A_458 : vector<512x512xf32>
    %tanh3A_462 = math.tanh %mul3A_461 : vector<512x512xf32>
    %add3A_463 = arith.constant 1.000000e+00 : f32
    %add3A_464 = vector.broadcast %add3A_463 : f32 to vector<512x512xf32>
    %add3A_465 = arith.addf %add3A_464, %tanh3A_462 : vector<512x512xf32>
    %mul3A_466 = arith.constant 5.000000e-01 : f32
    %mul3A_467 = vector.broadcast %mul3A_466 : f32 to vector<512x512xf32>
    %mul3A_468 = arith.mulf %mul3A_467, %add3A_465 : vector<512x512xf32>
    %mul3A_469 = arith.mulf %add3A_452, %mul3A_468 : vector<512x512xf32>
    %slice3A_470 = vector.extract_strided_slice %mul3A_193 {offsets = [0, 6], sizes = [512, 1], strides = [1, 1]} : vector<512x8xf32> to vector<512x1xf32>
    %mul3A_471 = vector.broadcast %slice3A_470 : vector<512x1xf32> to vector<512x512xf32>
    %mul3A_472 = arith.mulf %mul3A_469, %mul3A_471 : vector<512x512xf32>
    %get3A_473 = arith.constant 6 : index
    %get3A_474 = arith.constant 0 : index
    %get3A_475 = arith.constant 0 : index
    %get3A_476 = vector.load %arg14[%get3A_473, %get3A_474, %get3A_475] : memref<8x512x256xf32, #tpu.memory_space<vmem>>, vector<1x512x256xf32>
    %get3A_477 = vector.shape_cast %get3A_476 : vector<1x512x256xf32> to vector<512x256xf32>
    %dot_general3A_478 = arith.constant dense<0.000000e+00> : vector<512x256xf32>
    %dot_general3A_479 = tpu.matmul %mul3A_472, %get3A_477, %dot_general3A_478 {dimension_numbers = #tpu.dot_dimension_numbers<[1], [0], [0], [1], [0, 0, 1, 1], [], []>, transpose_lhs_hint = false} : vector<512x512xf32>, vector<512x256xf32>, vector<512x256xf32> -> vector<512x256xf32>
    %add3A_480 = arith.addf %add3A_440, %dot_general3A_479 : vector<512x256xf32>
    %get3A_481 = arith.constant 7 : index
    %get3A_482 = arith.constant 0 : index
    %get3A_483 = arith.constant 0 : index
    %get3A_484 = vector.load %arg12[%get3A_481, %get3A_482, %get3A_483] : memref<8x256x512xf32, #tpu.memory_space<vmem>>, vector<1x256x512xf32>
    %get3A_485 = vector.shape_cast %get3A_484 : vector<1x256x512xf32> to vector<256x512xf32>
    %dot_general3A_486 = arith.constant dense<0.000000e+00> : vector<512x512xf32>
    %dot_general3A_487 = tpu.matmul %add3A_28, %get3A_485, %dot_general3A_486 {dimension_numbers = #tpu.dot_dimension_numbers<[1], [0], [0], [1], [0, 0, 1, 1], [], []>, transpose_lhs_hint = false} : vector<512x256xf32>, vector<256x512xf32>, vector<512x512xf32> -> vector<512x512xf32>
    %get3A_488 = arith.constant 7 : index
    %get3A_489 = arith.constant 0 : index
    %get3A_490 = vector.load %arg13[%get3A_488, %get3A_489] : memref<8x512xf32, #tpu.memory_space<vmem>>, vector<1x512xf32>
    %add3A_491 = vector.broadcast %get3A_490 : vector<1x512xf32> to vector<512x512xf32>
    %add3A_492 = arith.addf %dot_general3A_487, %add3A_491 : vector<512x512xf32>
    %integer_pow3A_493 = arith.mulf %add3A_492, %add3A_492 : vector<512x512xf32>
    %integer_pow3A_494 = arith.mulf %add3A_492, %integer_pow3A_493 : vector<512x512xf32>
    %mul3A_495 = arith.constant 4.471500e-02 : f32
    %mul3A_496 = vector.broadcast %mul3A_495 : f32 to vector<512x512xf32>
    %mul3A_497 = arith.mulf %mul3A_496, %integer_pow3A_494 : vector<512x512xf32>
    %add3A_498 = arith.addf %add3A_492, %mul3A_497 : vector<512x512xf32>
    %mul3A_499 = arith.constant 0.797884583 : f32
    %mul3A_500 = vector.broadcast %mul3A_499 : f32 to vector<512x512xf32>
    %mul3A_501 = arith.mulf %mul3A_500, %add3A_498 : vector<512x512xf32>
    %tanh3A_502 = math.tanh %mul3A_501 : vector<512x512xf32>
    %add3A_503 = arith.constant 1.000000e+00 : f32
    %add3A_504 = vector.broadcast %add3A_503 : f32 to vector<512x512xf32>
    %add3A_505 = arith.addf %add3A_504, %tanh3A_502 : vector<512x512xf32>
    %mul3A_506 = arith.constant 5.000000e-01 : f32
    %mul3A_507 = vector.broadcast %mul3A_506 : f32 to vector<512x512xf32>
    %mul3A_508 = arith.mulf %mul3A_507, %add3A_505 : vector<512x512xf32>
    %mul3A_509 = arith.mulf %add3A_492, %mul3A_508 : vector<512x512xf32>
    %slice3A_510 = vector.extract_strided_slice %mul3A_193 {offsets = [0, 7], sizes = [512, 1], strides = [1, 1]} : vector<512x8xf32> to vector<512x1xf32>
    %mul3A_511 = vector.broadcast %slice3A_510 : vector<512x1xf32> to vector<512x512xf32>
    %mul3A_512 = arith.mulf %mul3A_509, %mul3A_511 : vector<512x512xf32>
    %get3A_513 = arith.constant 7 : index
    %get3A_514 = arith.constant 0 : index
    %get3A_515 = arith.constant 0 : index
    %get3A_516 = vector.load %arg14[%get3A_513, %get3A_514, %get3A_515] : memref<8x512x256xf32, #tpu.memory_space<vmem>>, vector<1x512x256xf32>
    %get3A_517 = vector.shape_cast %get3A_516 : vector<1x512x256xf32> to vector<512x256xf32>
    %dot_general3A_518 = arith.constant dense<0.000000e+00> : vector<512x256xf32>
    %dot_general3A_519 = tpu.matmul %mul3A_512, %get3A_517, %dot_general3A_518 {dimension_numbers = #tpu.dot_dimension_numbers<[1], [0], [0], [1], [0, 0, 1, 1], [], []>, transpose_lhs_hint = false} : vector<512x512xf32>, vector<512x256xf32>, vector<512x256xf32> -> vector<512x256xf32>
    %add3A_520 = arith.addf %add3A_480, %dot_general3A_519 : vector<512x256xf32>
    %get3A_521 = arith.constant 0 : index
    %get3A_522 = arith.constant 0 : index
    %get3A_523 = vector.load %arg16[%get3A_521, %get3A_522] : memref<1x1xf32, #tpu.memory_space<vmem>>, vector<1x1xf32>
    %get3A_524 = vector.extract %get3A_523[0, 0] : f32 from vector<1x1xf32>
    %mul3A_525 = vector.broadcast %get3A_524 : f32 to vector<512x256xf32>
    %mul3A_526 = arith.mulf %mul3A_525, %add3A_520 : vector<512x256xf32>
    %add3A_527 = arith.addf %get3A_1, %mul3A_526 : vector<512x256xf32>
    %swap3A = arith.constant 0 : index
    %swap3A_528 = arith.constant 0 : index
    %swap3A_529 = vector.load %arg17[%swap3A, %swap3A_528] : memref<512x256xf32, #tpu.memory_space<vmem>>, vector<512x256xf32>
    tpu.vector_store %arg17[%swap3A, %swap3A_528], %add3A_527 {strides = array<i32>} : memref<512x256xf32, #tpu.memory_space<vmem>>, vector<512x256xf32>,
    %swap3A_530 = arith.constant 0 : index
    %swap3A_531 = arith.constant 0 : index
    %swap3A_532 = vector.load %arg22[%swap3A_530, %swap3A_531] : memref<512x256xf32, #tpu.memory_space<vmem>>, vector<512x256xf32>
    tpu.vector_store %arg22[%swap3A_530, %swap3A_531], %add3A_520 {strides = array<i32>} : memref<512x256xf32, #tpu.memory_space<vmem>>, vector<512x256xf32>,
    %swap3A_533 = arith.constant 0 : index
    %swap3A_534 = arith.constant 0 : index
    %swap3A_535 = vector.load %arg18[%swap3A_533, %swap3A_534] : memref<512x8xf32, #tpu.memory_space<vmem>>, vector<512x8xf32>
    tpu.vector_store %arg18[%swap3A_533, %swap3A_534], %mul3A_193 {strides = array<i32>} : memref<512x8xf32, #tpu.memory_space<vmem>>, vector<512x8xf32>,
    %swap3A_536 = arith.constant 0 : index
    %swap3A_537 = arith.constant 0 : index
    %swap3A_538 = vector.load %arg19[%swap3A_536, %swap3A_537] : memref<512x8xf32, #tpu.memory_space<vmem>>, vector<512x8xf32>
    tpu.vector_store %arg19[%swap3A_536, %swap3A_537], %add3A_196 {strides = array<i32>} : memref<512x8xf32, #tpu.memory_space<vmem>>, vector<512x8xf32>,
    %swap3A_539 = arith.constant 0 : index
    %swap3A_540 = arith.constant 0 : index
    %swap3A_541 = vector.load %arg20[%swap3A_539, %swap3A_540] : memref<512x4xf32, #tpu.memory_space<vmem>>, vector<512x4xf32>
    tpu.vector_store %arg20[%swap3A_539, %swap3A_540], %div3A_87 {strides = array<i32>} : memref<512x4xf32, #tpu.memory_space<vmem>>, vector<512x4xf32>,
    %swap3A_542 = arith.constant 0 : index
    %swap3A_543 = arith.constant 0 : index
    %swap3A_544 = vector.load %arg21[%swap3A_542, %swap3A_543] : memref<512x4xf32, #tpu.memory_space<vmem>>, vector<512x4xf32>
    tpu.vector_store %arg21[%swap3A_542, %swap3A_543], %add3A_68 {strides = array<i32>} : memref<512x4xf32, #tpu.memory_space<vmem>>, vector<512x4xf32>,
    return
  }
  func.func @transform_0(%arg0: i32) -> (i32, i32) {
    %c0_i32 = arith.constant 0 : i32
    %c0_i32_0 = arith.constant 0 : i32
    return %arg0, %c0_i32 : i32, i32
  }
  func.func @transform_1(%arg0: i32) -> (i32, i32) {
    %c0_i32 = arith.constant 0 : i32
    %c0_i32_0 = arith.constant 0 : i32
    return %arg0, %c0_i32 : i32, i32
  }
  func.func @transform_2(%arg0: i32) -> (i32, i32) {
    %c0_i32 = arith.constant 0 : i32
    %c0_i32_0 = arith.constant 0 : i32
    %c0_i32_1 = arith.constant 0 : i32
    return %c0_i32, %c0_i32_0 : i32, i32
  }
  func.func @transform_3(%arg0: i32) -> (i32, i32) {
    %c0_i32 = arith.constant 0 : i32
    %c0_i32_0 = arith.constant 0 : i32
    %c0_i32_1 = arith.constant 0 : i32
    return %c0_i32, %c0_i32_0 : i32, i32
  }
  func.func @transform_4(%arg0: i32) -> (i32, i32) {
    %c0_i32 = arith.constant 0 : i32
    %c0_i32_0 = arith.constant 0 : i32
    %c0_i32_1 = arith.constant 0 : i32
    return %c0_i32, %c0_i32_0 : i32, i32
  }
  func.func @transform_5(%arg0: i32) -> (i32, i32) {
    %c0_i32 = arith.constant 0 : i32
    %c0_i32_0 = arith.constant 0 : i32
    %c0_i32_1 = arith.constant 0 : i32
    return %c0_i32, %c0_i32_0 : i32, i32
  }
  func.func @transform_6(%arg0: i32) -> (i32, i32) {
    %c0_i32 = arith.constant 0 : i32
    %c0_i32_0 = arith.constant 0 : i32
    %c0_i32_1 = arith.constant 0 : i32
    return %c0_i32, %c0_i32_0 : i32, i32
  }
  func.func @transform_7(%arg0: i32) -> (i32, i32) {
    %c0_i32 = arith.constant 0 : i32
    %c0_i32_0 = arith.constant 0 : i32
    %c0_i32_1 = arith.constant 0 : i32
    return %c0_i32, %c0_i32_0 : i32, i32
  }
  func.func @transform_8(%arg0: i32) -> (i32, i32) {
    %c0_i32 = arith.constant 0 : i32
    %c0_i32_0 = arith.constant 0 : i32
    %c0_i32_1 = arith.constant 0 : i32
    return %c0_i32, %c0_i32_0 : i32, i32
  }
  func.func @transform_9(%arg0: i32) -> (i32, i32) {
    %c0_i32 = arith.constant 0 : i32
    %c0_i32_0 = arith.constant 0 : i32
    %c0_i32_1 = arith.constant 0 : i32
    return %c0_i32, %c0_i32_0 : i32, i32
  }
  func.func @transform_10(%arg0: i32) -> (i32, i32) {
    %c0_i32 = arith.constant 0 : i32
    %c0_i32_0 = arith.constant 0 : i32
    %c0_i32_1 = arith.constant 0 : i32
    return %c0_i32, %c0_i32_0 : i32, i32
  }
  func.func @transform_11(%arg0: i32) -> (i32, i32, i32) {
    %c0_i32 = arith.constant 0 : i32
    %c0_i32_0 = arith.constant 0 : i32
    %c0_i32_1 = arith.constant 0 : i32
    %c0_i32_2 = arith.constant 0 : i32
    return %c0_i32, %c0_i32_0, %c0_i32_1 : i32, i32, i32
  }
  func.func @transform_12(%arg0: i32) -> (i32, i32) {
    %c0_i32 = arith.constant 0 : i32
    %c0_i32_0 = arith.constant 0 : i32
    %c0_i32_1 = arith.constant 0 : i32
    return %c0_i32, %c0_i32_0 : i32, i32
  }
  func.func @transform_13(%arg0: i32) -> (i32, i32, i32) {
    %c0_i32 = arith.constant 0 : i32
    %c0_i32_0 = arith.constant 0 : i32
    %c0_i32_1 = arith.constant 0 : i32
    %c0_i32_2 = arith.constant 0 : i32
    return %c0_i32, %c0_i32_0, %c0_i32_1 : i32, i32, i32
  }
  func.func @transform_14(%arg0: i32) -> (i32, i32) {
    %c0_i32 = arith.constant 0 : i32
    %c0_i32_0 = arith.constant 0 : i32
    %c0_i32_1 = arith.constant 0 : i32
    return %c0_i32, %c0_i32_0 : i32, i32
  }
  func.func @transform_15(%arg0: i32) -> (i32, i32) {
    %c0_i32 = arith.constant 0 : i32
    %c0_i32_0 = arith.constant 0 : i32
    %c0_i32_1 = arith.constant 0 : i32
    return %c0_i32, %c0_i32_0 : i32, i32
  }
  func.func @transform_16(%arg0: i32) -> (i32, i32) {
    %c0_i32 = arith.constant 0 : i32
    %c0_i32_0 = arith.constant 0 : i32
    return %arg0, %c0_i32 : i32, i32
  }
  func.func @transform_17(%arg0: i32) -> (i32, i32) {
    %c0_i32 = arith.constant 0 : i32
    %c0_i32_0 = arith.constant 0 : i32
    return %arg0, %c0_i32 : i32, i32
  }
  func.func @transform_18(%arg0: i32) -> (i32, i32) {
    %c0_i32 = arith.constant 0 : i32
    %c0_i32_0 = arith.constant 0 : i32
    return %arg0, %c0_i32 : i32, i32
  }
  func.func @transform_19(%arg0: i32) -> (i32, i32) {
    %c0_i32 = arith.constant 0 : i32
    %c0_i32_0 = arith.constant 0 : i32
    return %arg0, %c0_i32 : i32, i32
  }
  func.func @transform_20(%arg0: i32) -> (i32, i32) {
    %c0_i32 = arith.constant 0 : i32
    %c0_i32_0 = arith.constant 0 : i32
    return %arg0, %c0_i32 : i32, i32
  }
  func.func @transform_21(%arg0: i32) -> (i32, i32) {
    %c0_i32 = arith.constant 0 : i32
    %c0_i32_0 = arith.constant 0 : i32
    return %arg0, %c0_i32 : i32, i32
  }
}

</mosaic_0001>

<sc_bundles>
// kernel: sparse-core-data-format-call.1.cloned.1.call-start
scs
called_computation.1_lowered:
.L_overlay_start_0:
0x0: {  	s2 =	sld [smem:$0x3FD9]  }
0x1: {  	s3 =	sld [smem:$0x3FFE];
	_ =	sdelay $0x1  }
0x2: {  	s1 =	srdreg.scid  }
0x3: {  	s0 =	sand.u32 $0x1, s1  }
0x4: {  	s15 =	sshll.u32 s0, $0xA;
	s2 =	sadd.s32 s3, s2  }
0x5: {  	s2 =	sadd.s32 s2, s15  }
0x6: {  	[smem:$0x3FB3] =	sst s2  }
0x7: {  	_ = 	snop  }
0x8: {  	s2 =	sld [smem:$0x3FD0];
	_ =	sdelay $0x2  }
0x9: {  	s16 =	simm.s32 $0xB;
	s4 =	simm.s32 $0x10  }
0xa: {  	[smem:s4], [sflag:s16] =	dma.local [hbm:s2], $0x1  }
0xb: {  	_ =	swait.eq [sflag:s16], $0x1  }
0xc: {  	[sflag:s16] =	ssyncset.done $0x0  }
0xd: {  	[sflag:s16] =	ssyncadd.s32 $0xFFFFFFFF  }
0xe: {  	s17 =	sld [smem:$0x10];
	(tm) =	ssettm $0x1  }
0xf: {  	s18 =	sld [smem:$0x3FFB];
	_ =	sdelay $0x3  }
0x10: {  	_ =	strace s18  }
0x11: {  	s3 =	sld [smem:$0x3FFC];
	_ =	sdelay $0x3  }
0x12: {  	_ =	strace s3  }
0x13: {  	s3 =	sld [smem:$0x3FFD];
	_ =	sdelay $0x3  }
0x14: {  	_ =	strace s3  }
0x15: {  	_ =	strace $0x8FFFFFFF  }
0x16: {  	s19 =	sld [smem:$0x3FDB];
	_ =	sdelay $0x1  }
0x17: {  	s20 =	simm.s32 $_scs_section_size  }
0x18: {  	s5 =	simm.s32 $_size__tile_overlayer_lowered;
	s6 =	simm.s32 $_tile_overlayer_lowered  }
0x19: {  	s23 =	simm.s32 $0x1BFF;
	s22 =	sshll.u32 s6, $0x1;
	s3 =	sadd.s32 s20, s19  }
0x1a: {  	s7 =	simm.s32 $0x0;
	s21 =	sshll.u32 s5, $0x1;
	s5 =	sadd.s32 s22, s3  }
0x1b: {  	[timem:s7], [sflag:s23] =	dma.local [hbm:s5], s21  }
0x1c: {  	_ =	swait.ge [sflag:s23], s21  }
0x1d: {  	s4 =	ssub.s32 $0x0, s21;
	[sflag:s23] =	ssyncset.done $0x0  }
0x1e: {  	[sflag:s23] =	ssyncadd.s32 s4;
	_ =	sdelay $0x1  }
0x1f: {  	s24 =	simm.s32 $0x1B8B  }
0x20: {  	_ =	swait.ge [sflag:s24], $0x1  }
0x21: {  	[sflag:s24] =	ssyncset.done $0x0  }
0x22: {  	s26 =	simm.s32 $0x1B8E;
	s25 =	sld [smem:$0x3FFE];
	[sflag:s24] =	ssyncadd.s32 $0xFFFFFFFF  }
0x23: {  	s27 =	simm.s32 $execute0_lowered;
	[smem:$0x3FD2] =	sst s26  }
0x24: {  	s5 =	sshll.u32 s27, $0x1;
	_ =	strace $0x80000046;
	[dreg:$0x1] =	wrdreg $0xFFFFFFFF  }
0x25: {  	s28 =	simm.s32 $_size_execute0_lowered;
	s3 =	sadd.s32 s3, s5;
	[dreg:$0x0] =	wrdreg $0x0  }
0x26: {  	s5 =	sshll.u32 s28, $0x1;
	[dreg:$0x2] =	wrdreg s3  }
0x27: {  	[dreg:$0x3] =	wrdreg s5  }
0x28: {  	[dreg:$0x4] =	wrdreg $0xC0  }
0x29: {  	_ =	task [dreg:s7], $0x5FFFF  }
0x2a: {  	[dreg:$0x1] =	wrdreg $0xFFFFFFFF  }
0x2b: {  	[dreg:$0x0] =	wrdreg $0x60  }
0x2c: {  	[dreg:$0x2] =	wrdreg s25  }
0x2d: {  	[dreg:$0x3] =	wrdreg s17  }
0x2e: {  	[dreg:$0x4] =	wrdreg $0xA  }
0x2f: {  	_ =	task.clear_ibuf [dreg:s7], $0x5FFFF;
	_ =	strace $0x90000046  }
0x30: {  	s29 =	simm.s32 $0xA;
	_ =	strace $0x80000048  }
0x31: {  	_ =	swait.ge [sflag:s29], $0x1  }
0x32: {  	[sflag:s29] =	ssyncadd.s32 $0xFFFFFFFF  }
0x33: {  	_ =	strace $0x90000048  }
0x34: {  	_ =	sfence  }
0x35: {  	s30 =	sld [smem:$0x0];
	_ =	sdelay $0x2  }
0x36: {  	s31 =	sshll.u32 s1, $0xD;
	s1 =	sshrl.u32 s1, $0x2  }
0x37: {  	s3 =	sand.u32 $0x4000, s31;
	s1 =	sadd.s32 s1, s30  }
0x38: {  	s0 =	sor.u32 s3, s0;
	s1 =	sshll.u32 s1, $0x11  }
0x39: {  	s0 =	sor.u32 s1, s0  }
0x3a: {  	s0 =	sadd.s32 $0x8F2B, s0  }
0x3b: {  	[sflag:s0] =	ssyncadd.remote.s32 $0x1  }
0x3c: {  	_ =	sfence.sel $0xFFFF  }
0x3d: {  	[dreg:$0x0] =	wrdreg $0xFFFFFFFF;
	(pc) =	sbr.abs _section_cstart, $3  }
0x3e: {  	[dreg:$0x1] =	wrdreg $0xFFFFFFFF  }
0x3f: {  	_ =	task.clear_ibuf [dreg:s7], $0x2FFFF;
	_ =	strace $0x9FFFFFFF  }
0x40: {  	(tm) =	ssettm $0x7FFFFFFF  }
0x41: {  	_ =	shalt  }
tec
execute0_lowered:
.L_overlay_start_1:
0x0: {  	(tag) =	ssettag $0x1  }
0x1: {  	s0 =	stileid.u32;
	s8 =	rddreg [dreg:$0x0]  }
0x2: {  	s2 =	rddreg [dreg:$0x1];
	s5 =	srdreg.scid  }
0x3: {  	s31 =	simm.s32 $0x2;
	s19 =	simm.s32 $0x0;
	s12 =	simm.s32 $0x800  }
0x4: {  	s13 =	simm.s32 $0x0;
	s17 =	simm.s32 $0x0;
	s1 =	sshll.u32 s0, $0x7  }
0x5: {  	s18 =	simm.s32 $0x0;
	s16 =	simm.s32 $0x0;
	s3 =	sand.u32 $0x380, s1  }
0x6: {  	s4 =	sshrl.u32 s0, $0x3;
	s5 =	sshll.u32 s5, $0x7;
	s6 =	ssub.s32 $0x400, s3  }
0x7: {  	s5 =	sand.u32 $0x80, s5;
	s9 =	ssub.s32 $0x32, s4;
	s7 =	sand.u32 $0x380, s6  }
0x8: {  	s10 =	sshrl.u32 s9, $0x1;
	p0 =	sne.s32 s7, $0x0;
	s7 =	simm.s32 $0x1  }
0x9: {  	s9 =	sand.u32 $0x1, s9;
	s6 =	sshrl.u32 s6, $0xA;
	s7 =	simm.s32 @!p0 $0x0  }
0xa: {  	s11 =	ssub.s32 $0x100, s5;
	s28 =	sadd.s32 s9, s10;
	s6 =	sadd.s32 s7, s6  }
0xb: {  	s8 =	sadd.s32 $0x57D400, s8;
	s29 =	sshrl.u32 s11, $0x7;
	s7 =	smul.u32 s28, s6  }
.Ltmp0:
0xc: {  	s30 =	sshrl.u32 s11, $0x8;
	s9 =	sand.u32 $0x1, s29;
	(pc) =	sbr.rel .LBB1_1-.Ltmp0, $4  }
0xd: {  	s1 =	rddreg [dreg:$0x2];
	_ =	strace $0x80000047;
	s9 =	sadd.s32 s30, s9  }
0xe: {  	s14 =	smov.u32 s4;
	s6 =	simm.s32 $0x1;
	s7 =	smul.u32 s9, s7  }
0xf: {  	s15 =	smov.u32 s3;
	s11 =	simm.s32 $0x400;
	[sflag:s6] =	ssyncpa.u1 $0x0  }
0x10: {  	[sflag:s31] =	ssyncpa.u1 $0x0;
	s9 =	sshll.u32 s5, $0x3;
	s10 =	sadd.s32 $0x1, s7  }
.LBB1_4:
0x11: {  	_ =	sdelay $0x3  }
0x12: {  	[tilespmem:v0+s22+$0xFFFFFFD0 ss:$0x1] =	vst.idx.msk $0xffff, v6  }
0x13: {  	v56 =	vld.idx.msk [tilespmem:v1+s21+$0x0 ss:$0x1], $0xffff;
	[tilespmem:v0+s22+$0xFFFFFFE0 ss:$0x1] =	vst.idx.msk $0xffff, v4  }
0x14: {  	v57 =	vld.idx.msk [tilespmem:v1+s21+$0xFFFFFF90 ss:$0x1], $0xffff;
	[tilespmem:v0+s22+$0xFFFFFFF0 ss:$0x1] =	vst.idx.msk $0xffff, v2  }
0x15: {  	v58 =	vld.idx.msk [tilespmem:v1+s21+$0xFFFFFFA0 ss:$0x1], $0xffff;
	[tilespmem:v0+s22+$0x0 ss:$0x1] =	vst.idx.msk $0xffff, v3  }
0x16: {  	v59 =	vld.idx.msk [tilespmem:v1+s21+$0xFFFFFFB0 ss:$0x1], $0xffff;
	[tilespmem:v0+s22+$0x10 ss:$0x1] =	vst.idx.msk $0xffff, v5  }
0x17: {  	v60 =	vld.idx.msk [tilespmem:v1+s21+$0xFFFFFFC0 ss:$0x1], $0xffff;
	[tilespmem:v0+s22+$0x20 ss:$0x1] =	vst.idx.msk $0xffff, v7  }
0x18: {  	v61 =	vld.idx.msk [tilespmem:v1+s21+$0xFFFFFFD0 ss:$0x1], $0xffff;
	[tilespmem:v0+s21+$0x30 ss:$0x1] =	vst.idx.msk $0xffff, v56  }
0x19: {  	v62 =	vld.idx.msk [tilespmem:v1+s21+$0xFFFFFFE0 ss:$0x1], $0xffff;
	s29 =	sshll.u32 s18, $0x8;
	[tilespmem:v0+s21+$0xFFFFFFC0 ss:$0x1] =	vst.idx.msk $0xffff, v57  }
0x1a: {  	v63 =	vld.idx.msk [tilespmem:v1+s21+$0xFFFFFFF0 ss:$0x1], $0xffff;
	s19 =	sshll.u32 s19, $0x3;
	s23 =	sshll.u32 s18, $0x7;
	s22 =	sand.u32 $0x3F800, s29;
	[tilespmem:v0+s21+$0xFFFFFFD0 ss:$0x1] =	vst.idx.msk $0xffff, v58  }
0x1b: {  	s30 =	sand.u32 $0x300, s23;
	s19 =	sor.u32 s22, s19;
	[tilespmem:v0+s21+$0xFFFFFFE0 ss:$0x1] =	vst.idx.msk $0xffff, v59  }
0x1c: {  	s17 =	sshll.u32 s17, $0xF;
	s31 =	sshll.u32 s18, $0x4;
	s19 =	sor.u32 s30, s19;
	[tilespmem:v0+s21+$0xFFFFFFF0 ss:$0x1] =	vst.idx.msk $0xffff, v60  }
0x1d: {  	s18 =	sand.u32 $0x10, s31;
	s17 =	sadd.s32 s2, s17;
	s19 =	sshrl.u32 s19, $0x3;
	[tilespmem:v0+s21+$0x0 ss:$0x1] =	vst.idx.msk $0xffff, v61  }
0x1e: {  	s17 =	sadd.s32 s18, s17;
	[tilespmem:v0+s21+$0x10 ss:$0x1] =	vst.idx.msk $0xffff, v62;
	s19 =	sand.u32 $0x7FE0, s19  }
0x1f: {  	[tilespmem:v0+s21+$0x20 ss:$0x1] =	vst.idx.msk $0xffff, v63;
	s17 =	sadd.s32 s19, s17  }
0x20: {  	[hbm4b:s17+s11] =	stream.strided.scatter [tilespmem:s20], [sflag:$0x2], $0x4000, s12, s11, $0x38;
	[tilespmem:$0x10000] =	vst v63  }
.LBB1_5:
0x21: {  	s20 =	sadd.s32 $0x2, s14  }
0x22: {  	s17 =	sadd.s32 $0x400, s15;
	s21 =	smov.u32 s15;
	p1 =	sgt.s32 s20, $0x31  }
0x23: {  	s21 =	smov.u32 @p1 s17  }
0x24: {  	s20 =	smov.u32 @p1 s4;
	p1 =	sgt.s32 s21, $0x3FF  }
0x25: {  	s21 =	smov.u32 @p1 s3;
	p1 =	sne.s32 s16, s10  }
.Ltmp1:
0x26: {  	p0 =	slt.u32 s16, $0x2;
	(pc) =	sbr.rel @!p1 .LBB1_6-.Ltmp1, $4  }
0x27: {  	s18 =	smov.u32 s15;
	s19 =	simm.s32 @!p0 $0x2  }
0x28: {  	s13 =	sadd.s32 $0x4000, s13;
	_ =	swait.ge @!p0 [sflag:s19], $0x4000;
	s17 =	smov.u32 s14  }
0x29: {  	[sflag:s19] =	ssyncset.done @!p0 $0x0;
	s14 =	smov.u32 s20;
	s16 =	sadd.s32 $0x1, s16  }
0x2a: {  	[sflag:s19] =	ssyncadd.s32 @!p0 $0xFFFFC000;
	s19 =	smov.u32 s5;
	s15 =	smov.u32 s21  }
.LBB1_1:
0x2b: {  	p0 =	sge.u32 s16, s7  }
0x2c: {  	s20 =	sshll.u32 @!p0 s14, $0x8  }
0x2d: {  	s21 =	sshll.u32 @!p0 s14, $0x7;
	s20 =	sand.u32 @!p0 $0xFFFFF800, s20  }
0x2e: {  	s21 =	sand.u32 @!p0 $0x300, s21;
	s20 =	sor.u32 @!p0 s9, s20  }
0x2f: {  	s20 =	sor.u32 @!p0 s21, s20  }
0x30: {  	s20 =	sshrl.u32 @!p0 s20, $0x8  }
0x31: {  	s21 =	smulhi.u32 @!p0 $0x4924925, s20;
	_ =	sdelay $0x1  }
0x32: {  	s21 =	smul.u32 @!p0 $0x38, s21  }
0x33: {  	s31 =	sadd.s32 $0xFFFFFFFF, s16;
	s22 =	smul.u32 @!p0 $0x700, s15  }
0x34: {  	s23 =	sxor.u32 @!p0 $0xFFFFFFFF, s16;
	s20 =	ssub.s32 @!p0 s20, s21;
	s21 =	sshll.u32 @!p0 s14, $0x4  }
0x35: {  	s23 =	sshll.u32 @!p0 s23, $0xE;
	s22 =	sadd.s32 @!p0 s8, s22;
	s21 =	sand.u32 @!p0 $0x10, s21  }
0x36: {  	s23 =	sand.u32 @!p0 $0x4000, s23;
	s20 =	sshll.u32 @!p0 s20, $0x5;
	s21 =	sadd.s32 @!p0 s21, s22  }
0x37: {  	s22 =	simm.s32 @!p0 $0x3800;
	s20 =	sadd.s32 @!p0 s20, s21;
	s21 =	simm.s32 @!p0 $0x80  }
0x38: {  	[tilespmem:s23], [sflag:$0x1] =	stream.strided.gather @!p0 [hbm4b:s20+s21], $0x4000, s22, s21, $0x38;
	[tilespmem:$0x10000] =	vst v63  }
0x39: {  	p0 =	sge.u32 s31, s7  }
.Ltmp2:
0x3a: {  	_ = 	snop;
	(pc) =	sbr.rel @p0 .LBB1_5-.Ltmp2, $1  }
0x3b: {  	_ =	sdelay $0x3  }
0x3c: {  	s20 =	sand.u32 $0x4000, s13  }
0x3d: {  	s21 =	sor.u32 $0x70, s20  }
0x3e: {  	v1 =	vmov s21;
	_ =	sdelay $0x1  }
0x3f: {  	_ =	swait.ge [sflag:s6], $0x4000  }
0x40: {  	[sflag:s6] =	ssyncset.done $0x0  }
0x41: {  	s22 =	simm.s32 $0x0;
	[sflag:s6] =	ssyncadd.s32 $0xFFFFC000  }
0x42: {  	s20 =	sor.u32 $0x8040, s20;
	v7 =	vld.idx.msk [tilespmem:v1+s22+$0x0 ss:$0x1], $0xffff  }
0x43: {  	v0 =	vmov s20;
	v8 =	vld.idx.msk [tilespmem:v1+s22+$0xFFFFFF90 ss:$0x1], $0xffff  }
0x44: {  	v6 =	vld.idx.msk [tilespmem:v1+s22+$0xFFFFFFA0 ss:$0x1], $0xffff  }
0x45: {  	v4 =	vld.idx.msk [tilespmem:v1+s22+$0xFFFFFFB0 ss:$0x1], $0xffff  }
0x46: {  	v2 =	vld.idx.msk [tilespmem:v1+s22+$0xFFFFFFC0 ss:$0x1], $0xffff  }
0x47: {  	s31 =	sshll.u32 s16, $0xE;
	v3 =	vld.idx.msk [tilespmem:v1+s22+$0xFFFFFFD0 ss:$0x1], $0xffff  }
0x48: {  	s20 =	sand.u32 $0x4000, s31;
	v5 =	vld.idx.msk [tilespmem:v1+s22+$0xFFFFFFE0 ss:$0x1], $0xffff;
	[tilespmem:v0+s22+$0x30 ss:$0x1] =	vst.idx.msk $0xffff, v7  }
0x49: {  	s23 =	simm.s32 $0x400;
	s21 =	simm.s32 $0x80;
	s20 =	sor.u32 $0x8000, s20;
	[tilespmem:v0+s22+$0xFFFFFFC0 ss:$0x1] =	vst.idx.msk $0xffff, v8;
	v7 =	vld.idx.msk [tilespmem:v1+s22+$0xFFFFFFF0 ss:$0x1], $0xffff  }
.LBB1_3:
0x4a: {  	p0 =	sne.s32 s23, $0xFE00;
	v8 =	vld.idx.msk [tilespmem:v1+s21+$0x0 ss:$0x1], $0xffff;
	[tilespmem:v0+s22+$0xFFFFFFD0 ss:$0x1] =	vst.idx.msk $0xffff, v6  }
0x4b: {  	v9 =	vld.idx.msk [tilespmem:v1+s21+$0xFFFFFF90 ss:$0x1], $0xffff;
	[tilespmem:v0+s22+$0xFFFFFFE0 ss:$0x1] =	vst.idx.msk $0xffff, v4  }
0x4c: {  	v6 =	vld.idx.msk [tilespmem:v1+s21+$0xFFFFFFA0 ss:$0x1], $0xffff;
	[tilespmem:v0+s22+$0xFFFFFFF0 ss:$0x1] =	vst.idx.msk $0xffff, v2  }
.Ltmp3:
0x4d: {  	v4 =	vld.idx.msk [tilespmem:v1+s21+$0xFFFFFFB0 ss:$0x1], $0xffff;
	[tilespmem:v0+s22+$0x0 ss:$0x1] =	vst.idx.msk $0xffff, v3;
	(pc) =	sbr.rel @p0 .LBB1_3-.Ltmp3, $4  }
0x4e: {  	v2 =	vld.idx.msk [tilespmem:v1+s21+$0xFFFFFFC0 ss:$0x1], $0xffff;
	[tilespmem:v0+s22+$0x10 ss:$0x1] =	vst.idx.msk $0xffff, v5  }
0x4f: {  	v3 =	vld.idx.msk [tilespmem:v1+s21+$0xFFFFFFD0 ss:$0x1], $0xffff;
	[tilespmem:v0+s22+$0x20 ss:$0x1] =	vst.idx.msk $0xffff, v7;
	s22 =	smov.u32 s21  }
0x50: {  	v5 =	vld.idx.msk [tilespmem:v1+s22+$0xFFFFFFE0 ss:$0x1], $0xffff;
	[tilespmem:v0+s22+$0x30 ss:$0x1] =	vst.idx.msk $0xffff, v8  }
0x51: {  	s21 =	sshra.s32 s23, $0x2;
	s23 =	sadd.s32 $0x200, s23;
	[tilespmem:v0+s22+$0xFFFFFFC0 ss:$0x1] =	vst.idx.msk $0xffff, v9;
	v7 =	vld.idx.msk [tilespmem:v1+s22+$0xFFFFFFF0 ss:$0x1], $0xffff  }
.Ltmp4:
0x52: {  	_ = 	snop;
	(pc) =	sbr.rel .LBB1_4-.Ltmp4, $1  }
0x53: {  	_ =	sdelay $0x3  }
.LBB1_6:
0x54: {  	_ =	sfence.sel $0x180000  }
0x55: {  	s2 =	simm.s32 $0x1;
	[bflag:$0x0] =	sbarrier.arrive $0xFFFF  }
0x56: {  	s31 =	simm.s32 $0x2;
	[sflag:s2] =	ssyncpa.u1 $0x1  }
0x57: {  	[sflag:s31] =	ssyncpa.u1 $0x1  }
0x58: {  	p0 =	sne.s32 s0, $0x0;
	_ =	strace $0x90000047  }
0x59: {  	s0 =	sadd.s32 @!p0 $0x100000, s1;
	[bflag:$0x2] =	sbarrier.arrive $0xFFFF  }
0x5a: {  	[sflag:s0] =	ssyncadd.tile.s32 @!p0 $0x1;
	_ =	shalt  }
.Lfunc_end1:
_tile_overlayer_lowered:
.L_overlay_start_2:
0x5b: {  	(tag) =	ssettag $0x2  }
0x5c: {  	s0 =	rddreg [dreg:$0x0];
	s2 =	stileid.u32  }
0x5d: {  	s1 =	rddreg [dreg:$0x1];
	p0 =	sne.s32 s2, $0x0  }
0x5e: {  	s3 =	rddreg [dreg:$0x2];
	[bflag:$0x3] =	sbarrier.arrive $0xFFFF;
	s2 =	simm.s32 @!p0 $0x1C01  }
0x5f: {  	[timem:s3], [sflag:s2] =	dma.local @!p0 [hbm:s0], s1  }
0x60: {  	s0 =	simm.s32 @!p0 $0x1  }
0x61: {  	_ =	swait.ge @!p0 [sflag:s0], s1  }
0x62: {  	s1 =	ssub.s32 @!p0 $0x0, s1;
	[sflag:s0] =	ssyncset.done @!p0 $0x0  }
0x63: {  	[sflag:s0] =	ssyncadd.s32 @!p0 s1  }
0x64: {  	[bflag:$0x3] =	sbarrier.arrive $0xFFFF  }
0x65: {  	_ =	shalt  }

// kernel: sparse-core-data-format-call.cloned.1.call-start
scs
called_computation_lowered:
.L_overlay_start_0:
0x0: {  	s2 =	sld [smem:$0x3FD9]  }
0x1: {  	s3 =	sld [smem:$0x3FFE];
	_ =	sdelay $0x1  }
0x2: {  	s1 =	srdreg.scid  }
0x3: {  	s0 =	sand.u32 $0x1, s1  }
0x4: {  	s16 =	sshll.u32 s0, $0xA;
	s2 =	sadd.s32 s3, s2  }
0x5: {  	s2 =	sadd.s32 s2, s16  }
0x6: {  	[smem:$0x3FB3] =	sst s2  }
0x7: {  	_ = 	snop  }
0x8: {  	s2 =	sld [smem:$0x3FD0];
	_ =	sdelay $0x2  }
0x9: {  	s17 =	simm.s32 $0xB;
	s4 =	simm.s32 $0x10  }
0xa: {  	[smem:s4], [sflag:s17] =	dma.local [hbm:s2], $0x1  }
0xb: {  	_ =	swait.eq [sflag:s17], $0x1  }
0xc: {  	[sflag:s17] =	ssyncset.done $0x0  }
0xd: {  	[sflag:s17] =	ssyncadd.s32 $0xFFFFFFFF  }
0xe: {  	s18 =	sld [smem:$0x15];
	(tm) =	ssettm $0x1  }
0xf: {  	s19 =	sld [smem:$0x3FFB];
	_ =	sdelay $0x3  }
0x10: {  	_ =	strace s19  }
0x11: {  	s2 =	sld [smem:$0x3FFC];
	_ =	sdelay $0x3  }
0x12: {  	_ =	strace s2  }
0x13: {  	s2 =	sld [smem:$0x3FFD];
	_ =	sdelay $0x3  }
0x14: {  	_ =	strace s2  }
0x15: {  	_ =	strace $0x8FFFFFFF  }
0x16: {  	s20 =	sld [smem:$0x3FDB];
	_ =	sdelay $0x1  }
0x17: {  	s21 =	simm.s32 $_scs_section_size  }
0x18: {  	s5 =	simm.s32 $_size__tile_overlayer_lowered;
	s6 =	simm.s32 $_tile_overlayer_lowered  }
0x19: {  	s7 =	simm.s32 $0x1BFF;
	s22 =	sshll.u32 s6, $0x1;
	s4 =	sadd.s32 s21, s20  }
0x1a: {  	s23 =	simm.s32 $0x0;
	s5 =	sshll.u32 s5, $0x1;
	s6 =	sadd.s32 s22, s4  }
0x1b: {  	[timem:s23], [sflag:s7] =	dma.local [hbm:s6], s5  }
0x1c: {  	_ =	swait.ge [sflag:s7], s5  }
0x1d: {  	s5 =	ssub.s32 $0x0, s5;
	[sflag:s7] =	ssyncset.done $0x0  }
0x1e: {  	[sflag:s7] =	ssyncadd.s32 s5;
	_ =	sdelay $0x1  }
0x1f: {  	s24 =	simm.s32 $0x1B8B  }
0x20: {  	_ =	swait.ge [sflag:s24], $0x1  }
0x21: {  	[sflag:s24] =	ssyncset.done $0x0  }
0x22: {  	[sflag:s24] =	ssyncadd.s32 $0xFFFFFFFF  }
0x23: {  	s5 =	sld [smem:$0x0]  }
0x24: {  	s6 =	sand.u32 $0xFFFFFFFE, s1  }
0x25: {  	p0 =	sne.s32 s1, s6  }
0x26: {  	s6 =	sshll.u32 @p0 s6, $0xE  }
0x27: {  	s6 =	sadd.s32 @p0 $0x11B8D, s6;
	s7 =	sshll.u32 @p0 s5, $0x11  }
0x28: {  	s6 =	sor.u32 @p0 s7, s6  }
0x29: {  	[sflag:s6] =	ssyncadd.remote.s32 @p0 $0x1;
	_ =	sdelay $0x1  }
0x2a: {  	s6 =	simm.s32 @p0 $0x1B8D  }
0x2b: {  	_ =	swait.eq @p0 [sflag:s6], $0x1  }
0x2c: {  	[sflag:s6] =	ssyncadd.s32 @p0 $0xFFFFFFFF  }
0x2d: {  	s7 =	sshll.u32 @!p0 s1, $0xE  }
0x2e: {  	s7 =	sor.u32 @!p0 $0x4000, s7;
	s6 =	simm.s32 @!p0 $0x1B8D  }
0x2f: {  	s5 =	sshll.u32 @!p0 s5, $0x11;
	s7 =	sadd.s32 @!p0 $0x11B8D, s7;
	_ =	swait.eq @!p0 [sflag:s6], $0x1  }
0x30: {  	s5 =	sor.u32 @!p0 s5, s7;
	[sflag:s6] =	ssyncadd.s32 @!p0 $0xFFFFFFFF  }
0x31: {  	s26 =	simm.s32 $0x1B8E;
	s25 =	sld [smem:$0x3FFE];
	[sflag:s5] =	ssyncadd.remote.s32 @!p0 $0x1  }
0x32: {  	s27 =	simm.s32 $execute0_lowered;
	[smem:$0x3FD2] =	sst s26  }
0x33: {  	s6 =	sshll.u32 s27, $0x1;
	_ =	strace $0x80000049;
	[dreg:$0x1] =	wrdreg $0xFFFFFFFF  }
0x34: {  	s28 =	simm.s32 $_size_execute0_lowered;
	s4 =	sadd.s32 s4, s6;
	[dreg:$0x0] =	wrdreg $0x0  }
0x35: {  	s6 =	sshll.u32 s28, $0x1;
	[dreg:$0x2] =	wrdreg s4  }
0x36: {  	[dreg:$0x3] =	wrdreg s6  }
0x37: {  	[dreg:$0x4] =	wrdreg $0xC0  }
0x38: {  	_ =	task [dreg:s23], $0x5FFFF  }
0x39: {  	[dreg:$0x1] =	wrdreg $0xFFFFFFFF  }
0x3a: {  	[dreg:$0x0] =	wrdreg $0x60  }
0x3b: {  	[dreg:$0x2] =	wrdreg s25  }
0x3c: {  	[dreg:$0x3] =	wrdreg s18  }
0x3d: {  	[dreg:$0x4] =	wrdreg $0x9  }
0x3e: {  	_ =	task.clear_ibuf [dreg:s23], $0x5FFFF;
	_ =	strace $0x90000049  }
0x3f: {  	s29 =	simm.s32 $0x9;
	_ =	strace $0x8000004B  }
0x40: {  	_ =	swait.ge [sflag:s29], $0x1  }
0x41: {  	[sflag:s29] =	ssyncadd.s32 $0xFFFFFFFF  }
0x42: {  	_ =	strace $0x9000004B  }
0x43: {  	_ =	sfence  }
0x44: {  	s30 =	sld [smem:$0x0];
	_ =	sdelay $0x2  }
0x45: {  	s31 =	sshll.u32 s1, $0xD;
	s1 =	sshrl.u32 s1, $0x2  }
0x46: {  	s4 =	sand.u32 $0x4000, s31;
	s1 =	sadd.s32 s1, s30  }
0x47: {  	s0 =	sor.u32 s4, s0;
	s1 =	sshll.u32 s1, $0x11  }
0x48: {  	s0 =	sor.u32 s1, s0  }
0x49: {  	s0 =	sadd.s32 $0x8F2B, s0  }
0x4a: {  	[sflag:s0] =	ssyncadd.remote.s32 $0x1  }
0x4b: {  	_ =	sfence.sel $0xFFFF  }
0x4c: {  	[dreg:$0x0] =	wrdreg $0xFFFFFFFF;
	(pc) =	sbr.abs _section_cstart, $3  }
0x4d: {  	[dreg:$0x1] =	wrdreg $0xFFFFFFFF  }
0x4e: {  	_ =	task.clear_ibuf [dreg:s23], $0x2FFFF;
	_ =	strace $0x9FFFFFFF  }
0x4f: {  	(tm) =	ssettm $0x7FFFFFFF  }
tec
execute0_lowered:
.L_overlay_start_1:
0x0: {  	(tag) =	ssettag $0x1  }
0x1: {  	s0 =	stileid.u32;
	s8 =	rddreg [dreg:$0x0]  }
0x2: {  	s2 =	rddreg [dreg:$0x1];
	s5 =	srdreg.scid  }
0x3: {  	s31 =	simm.s32 $0x2;
	s19 =	simm.s32 $0x0;
	s12 =	simm.s32 $0x800  }
0x4: {  	s13 =	simm.s32 $0x0;
	s17 =	simm.s32 $0x0;
	s1 =	sshll.u32 s0, $0x7  }
0x5: {  	s18 =	simm.s32 $0x0;
	s16 =	simm.s32 $0x0;
	s3 =	sand.u32 $0x380, s1  }
0x6: {  	s4 =	sshrl.u32 s0, $0x3;
	s5 =	sshll.u32 s5, $0x7;
	s6 =	ssub.s32 $0x400, s3  }
0x7: {  	s5 =	sand.u32 $0x80, s5;
	s9 =	ssub.s32 $0x32, s4;
	s7 =	sand.u32 $0x380, s6  }
0x8: {  	s10 =	sshrl.u32 s9, $0x1;
	p0 =	sne.s32 s7, $0x0;
	s7 =	simm.s32 $0x1  }
0x9: {  	s9 =	sand.u32 $0x1, s9;
	s6 =	sshrl.u32 s6, $0xA;
	s7 =	simm.s32 @!p0 $0x0  }
0xa: {  	s11 =	ssub.s32 $0x100, s5;
	s28 =	sadd.s32 s9, s10;
	s6 =	sadd.s32 s7, s6  }
0xb: {  	s8 =	sadd.s32 $0x73D400, s8;
	s29 =	sshrl.u32 s11, $0x7;
	s7 =	smul.u32 s28, s6  }
.Ltmp0:
0xc: {  	s30 =	sshrl.u32 s11, $0x8;
	s9 =	sand.u32 $0x1, s29;
	(pc) =	sbr.rel .LBB1_1-.Ltmp0, $4  }
0xd: {  	s1 =	rddreg [dreg:$0x2];
	_ =	strace $0x8000004A;
	s9 =	sadd.s32 s30, s9  }
0xe: {  	s14 =	smov.u32 s4;
	s6 =	simm.s32 $0x1;
	s7 =	smul.u32 s9, s7  }
0xf: {  	s15 =	smov.u32 s3;
	s11 =	simm.s32 $0x400;
	[sflag:s6] =	ssyncpa.u1 $0x0  }
0x10: {  	[sflag:s31] =	ssyncpa.u1 $0x0;
	s9 =	sshll.u32 s5, $0x3;
	s10 =	sadd.s32 $0x1, s7  }
.LBB1_4:
0x11: {  	_ =	sdelay $0x3  }
0x12: {  	[tilespmem:v0+s22+$0xFFFFFFD0 ss:$0x1] =	vst.idx.msk $0xffff, v6  }
0x13: {  	v56 =	vld.idx.msk [tilespmem:v1+s21+$0x0 ss:$0x1], $0xffff;
	[tilespmem:v0+s22+$0xFFFFFFE0 ss:$0x1] =	vst.idx.msk $0xffff, v4  }
0x14: {  	v57 =	vld.idx.msk [tilespmem:v1+s21+$0xFFFFFF90 ss:$0x1], $0xffff;
	[tilespmem:v0+s22+$0xFFFFFFF0 ss:$0x1] =	vst.idx.msk $0xffff, v2  }
0x15: {  	v58 =	vld.idx.msk [tilespmem:v1+s21+$0xFFFFFFA0 ss:$0x1], $0xffff;
	[tilespmem:v0+s22+$0x0 ss:$0x1] =	vst.idx.msk $0xffff, v3  }
0x16: {  	v59 =	vld.idx.msk [tilespmem:v1+s21+$0xFFFFFFB0 ss:$0x1], $0xffff;
	[tilespmem:v0+s22+$0x10 ss:$0x1] =	vst.idx.msk $0xffff, v5  }
0x17: {  	v60 =	vld.idx.msk [tilespmem:v1+s21+$0xFFFFFFC0 ss:$0x1], $0xffff;
	[tilespmem:v0+s22+$0x20 ss:$0x1] =	vst.idx.msk $0xffff, v7  }
0x18: {  	v61 =	vld.idx.msk [tilespmem:v1+s21+$0xFFFFFFD0 ss:$0x1], $0xffff;
	[tilespmem:v0+s21+$0x30 ss:$0x1] =	vst.idx.msk $0xffff, v56  }
0x19: {  	v62 =	vld.idx.msk [tilespmem:v1+s21+$0xFFFFFFE0 ss:$0x1], $0xffff;
	s29 =	sshll.u32 s18, $0x8;
	[tilespmem:v0+s21+$0xFFFFFFC0 ss:$0x1] =	vst.idx.msk $0xffff, v57  }
0x1a: {  	v63 =	vld.idx.msk [tilespmem:v1+s21+$0xFFFFFFF0 ss:$0x1], $0xffff;
	s19 =	sshll.u32 s19, $0x3;
	s23 =	sshll.u32 s18, $0x7;
	s22 =	sand.u32 $0x3F800, s29;
	[tilespmem:v0+s21+$0xFFFFFFD0 ss:$0x1] =	vst.idx.msk $0xffff, v58  }
0x1b: {  	s30 =	sand.u32 $0x300, s23;
	s19 =	sor.u32 s22, s19;
	[tilespmem:v0+s21+$0xFFFFFFE0 ss:$0x1] =	vst.idx.msk $0xffff, v59  }
0x1c: {  	s17 =	sshll.u32 s17, $0xF;
	s31 =	sshll.u32 s18, $0x4;
	s19 =	sor.u32 s30, s19;
	[tilespmem:v0+s21+$0xFFFFFFF0 ss:$0x1] =	vst.idx.msk $0xffff, v60  }
0x1d: {  	s18 =	sand.u32 $0x10, s31;
	s17 =	sadd.s32 s2, s17;
	s19 =	sshrl.u32 s19, $0x3;
	[tilespmem:v0+s21+$0x0 ss:$0x1] =	vst.idx.msk $0xffff, v61  }
0x1e: {  	s17 =	sadd.s32 s18, s17;
	[tilespmem:v0+s21+$0x10 ss:$0x1] =	vst.idx.msk $0xffff, v62;
	s19 =	sand.u32 $0x7FE0, s19  }
0x1f: {  	[tilespmem:v0+s21+$0x20 ss:$0x1] =	vst.idx.msk $0xffff, v63;
	s17 =	sadd.s32 s19, s17  }
0x20: {  	[hbm4b:s17+s11] =	stream.strided.scatter [tilespmem:s20], [sflag:$0x2], $0x4000, s12, s11, $0x38;
	[tilespmem:$0x10000] =	vst v63  }
.LBB1_5:
0x21: {  	s20 =	sadd.s32 $0x2, s14  }
0x22: {  	s17 =	sadd.s32 $0x400, s15;
	s21 =	smov.u32 s15;
	p1 =	sgt.s32 s20, $0x31  }
0x23: {  	s21 =	smov.u32 @p1 s17  }
0x24: {  	s20 =	smov.u32 @p1 s4;
	p1 =	sgt.s32 s21, $0x3FF  }
0x25: {  	s21 =	smov.u32 @p1 s3;
	p1 =	sne.s32 s16, s10  }
.Ltmp1:
0x26: {  	p0 =	slt.u32 s16, $0x2;
	(pc) =	sbr.rel @!p1 .LBB1_6-.Ltmp1, $4  }
0x27: {  	s18 =	smov.u32 s15;
	s19 =	simm.s32 @!p0 $0x2  }
0x28: {  	s13 =	sadd.s32 $0x4000, s13;
	_ =	swait.ge @!p0 [sflag:s19], $0x4000;
	s17 =	smov.u32 s14  }
0x29: {  	[sflag:s19] =	ssyncset.done @!p0 $0x0;
	s14 =	smov.u32 s20;
	s16 =	sadd.s32 $0x1, s16  }
0x2a: {  	[sflag:s19] =	ssyncadd.s32 @!p0 $0xFFFFC000;
	s19 =	smov.u32 s5;
	s15 =	smov.u32 s21  }
.LBB1_1:
0x2b: {  	p0 =	sge.u32 s16, s7  }
0x2c: {  	s20 =	sshll.u32 @!p0 s14, $0x8  }
0x2d: {  	s21 =	sshll.u32 @!p0 s14, $0x7;
	s20 =	sand.u32 @!p0 $0xFFFFF800, s20  }
0x2e: {  	s21 =	sand.u32 @!p0 $0x300, s21;
	s20 =	sor.u32 @!p0 s9, s20  }
0x2f: {  	s20 =	sor.u32 @!p0 s21, s20  }
0x30: {  	s20 =	sshrl.u32 @!p0 s20, $0x8  }
0x31: {  	s21 =	smulhi.u32 @!p0 $0x4924925, s20;
	_ =	sdelay $0x1  }
0x32: {  	s21 =	smul.u32 @!p0 $0x38, s21  }
0x33: {  	s31 =	sadd.s32 $0xFFFFFFFF, s16;
	s22 =	smul.u32 @!p0 $0x700, s15  }
0x34: {  	s23 =	sxor.u32 @!p0 $0xFFFFFFFF, s16;
	s20 =	ssub.s32 @!p0 s20, s21;
	s21 =	sshll.u32 @!p0 s14, $0x4  }
0x35: {  	s23 =	sshll.u32 @!p0 s23, $0xE;
	s22 =	sadd.s32 @!p0 s8, s22;
	s21 =	sand.u32 @!p0 $0x10, s21  }
0x36: {  	s23 =	sand.u32 @!p0 $0x4000, s23;
	s20 =	sshll.u32 @!p0 s20, $0x5;
	s21 =	sadd.s32 @!p0 s21, s22  }
0x37: {  	s22 =	simm.s32 @!p0 $0x3800;
	s20 =	sadd.s32 @!p0 s20, s21;
	s21 =	simm.s32 @!p0 $0x80  }
0x38: {  	[tilespmem:s23], [sflag:$0x1] =	stream.strided.gather @!p0 [hbm4b:s20+s21], $0x4000, s22, s21, $0x38;
	[tilespmem:$0x10000] =	vst v63  }
0x39: {  	p0 =	sge.u32 s31, s7  }
.Ltmp2:
0x3a: {  	_ = 	snop;
	(pc) =	sbr.rel @p0 .LBB1_5-.Ltmp2, $1  }
0x3b: {  	_ =	sdelay $0x3  }
0x3c: {  	s20 =	sand.u32 $0x4000, s13  }
0x3d: {  	s21 =	sor.u32 $0x70, s20  }
0x3e: {  	v1 =	vmov s21;
	_ =	sdelay $0x1  }
0x3f: {  	_ =	swait.ge [sflag:s6], $0x4000  }
0x40: {  	[sflag:s6] =	ssyncset.done $0x0  }
0x41: {  	s22 =	simm.s32 $0x0;
	[sflag:s6] =	ssyncadd.s32 $0xFFFFC000  }
0x42: {  	s20 =	sor.u32 $0x8040, s20;
	v7 =	vld.idx.msk [tilespmem:v1+s22+$0x0 ss:$0x1], $0xffff  }
0x43: {  	v0 =	vmov s20;
	v8 =	vld.idx.msk [tilespmem:v1+s22+$0xFFFFFF90 ss:$0x1], $0xffff  }
0x44: {  	v6 =	vld.idx.msk [tilespmem:v1+s22+$0xFFFFFFA0 ss:$0x1], $0xffff  }
0x45: {  	v4 =	vld.idx.msk [tilespmem:v1+s22+$0xFFFFFFB0 ss:$0x1], $0xffff  }
0x46: {  	v2 =	vld.idx.msk [tilespmem:v1+s22+$0xFFFFFFC0 ss:$0x1], $0xffff  }
0x47: {  	s31 =	sshll.u32 s16, $0xE;
	v3 =	vld.idx.msk [tilespmem:v1+s22+$0xFFFFFFD0 ss:$0x1], $0xffff  }
0x48: {  	s20 =	sand.u32 $0x4000, s31;
	v5 =	vld.idx.msk [tilespmem:v1+s22+$0xFFFFFFE0 ss:$0x1], $0xffff;
	[tilespmem:v0+s22+$0x30 ss:$0x1] =	vst.idx.msk $0xffff, v7  }
0x49: {  	s23 =	simm.s32 $0x400;
	s21 =	simm.s32 $0x80;
	s20 =	sor.u32 $0x8000, s20;
	[tilespmem:v0+s22+$0xFFFFFFC0 ss:$0x1] =	vst.idx.msk $0xffff, v8;
	v7 =	vld.idx.msk [tilespmem:v1+s22+$0xFFFFFFF0 ss:$0x1], $0xffff  }
.LBB1_3:
0x4a: {  	p0 =	sne.s32 s23, $0xFE00;
	v8 =	vld.idx.msk [tilespmem:v1+s21+$0x0 ss:$0x1], $0xffff;
	[tilespmem:v0+s22+$0xFFFFFFD0 ss:$0x1] =	vst.idx.msk $0xffff, v6  }
0x4b: {  	v9 =	vld.idx.msk [tilespmem:v1+s21+$0xFFFFFF90 ss:$0x1], $0xffff;
	[tilespmem:v0+s22+$0xFFFFFFE0 ss:$0x1] =	vst.idx.msk $0xffff, v4  }
0x4c: {  	v6 =	vld.idx.msk [tilespmem:v1+s21+$0xFFFFFFA0 ss:$0x1], $0xffff;
	[tilespmem:v0+s22+$0xFFFFFFF0 ss:$0x1] =	vst.idx.msk $0xffff, v2  }
.Ltmp3:
0x4d: {  	v4 =	vld.idx.msk [tilespmem:v1+s21+$0xFFFFFFB0 ss:$0x1], $0xffff;
	[tilespmem:v0+s22+$0x0 ss:$0x1] =	vst.idx.msk $0xffff, v3;
	(pc) =	sbr.rel @p0 .LBB1_3-.Ltmp3, $4  }
0x4e: {  	v2 =	vld.idx.msk [tilespmem:v1+s21+$0xFFFFFFC0 ss:$0x1], $0xffff;
	[tilespmem:v0+s22+$0x10 ss:$0x1] =	vst.idx.msk $0xffff, v5  }
0x4f: {  	v3 =	vld.idx.msk [tilespmem:v1+s21+$0xFFFFFFD0 ss:$0x1], $0xffff;
	[tilespmem:v0+s22+$0x20 ss:$0x1] =	vst.idx.msk $0xffff, v7;
	s22 =	smov.u32 s21  }
0x50: {  	v5 =	vld.idx.msk [tilespmem:v1+s22+$0xFFFFFFE0 ss:$0x1], $0xffff;
	[tilespmem:v0+s22+$0x30 ss:$0x1] =	vst.idx.msk $0xffff, v8  }
0x51: {  	s21 =	sshra.s32 s23, $0x2;
	s23 =	sadd.s32 $0x200, s23;
	[tilespmem:v0+s22+$0xFFFFFFC0 ss:$0x1] =	vst.idx.msk $0xffff, v9;
	v7 =	vld.idx.msk [tilespmem:v1+s22+$0xFFFFFFF0 ss:$0x1], $0xffff  }
.Ltmp4:
0x52: {  	_ = 	snop;
	(pc) =	sbr.rel .LBB1_4-.Ltmp4, $1  }
0x53: {  	_ =	sdelay $0x3  }
.LBB1_6:
0x54: {  	_ =	sfence.sel $0x180000  }
0x55: {  	s2 =	simm.s32 $0x1;
	[bflag:$0x0] =	sbarrier.arrive $0xFFFF  }
0x56: {  	s31 =	simm.s32 $0x2;
	[sflag:s2] =	ssyncpa.u1 $0x1  }
0x57: {  	[sflag:s31] =	ssyncpa.u1 $0x1  }
0x58: {  	p0 =	sne.s32 s0, $0x0;
	_ =	strace $0x9000004A  }
0x59: {  	s0 =	sadd.s32 @!p0 $0x100000, s1;
	[bflag:$0x2] =	sbarrier.arrive $0xFFFF  }
0x5a: {  	[sflag:s0] =	ssyncadd.tile.s32 @!p0 $0x1;
	_ =	shalt  }
.Lfunc_end1:
_tile_overlayer_lowered:
.L_overlay_start_2:
0x5b: {  	(tag) =	ssettag $0x2  }
0x5c: {  	s0 =	rddreg [dreg:$0x0];
	s2 =	stileid.u32  }
0x5d: {  	s1 =	rddreg [dreg:$0x1];
	p0 =	sne.s32 s2, $0x0  }
0x5e: {  	s3 =	rddreg [dreg:$0x2];
	[bflag:$0x3] =	sbarrier.arrive $0xFFFF;
	s2 =	simm.s32 @!p0 $0x1C01  }
0x5f: {  	[timem:s3], [sflag:s2] =	dma.local @!p0 [hbm:s0], s1  }
0x60: {  	s0 =	simm.s32 @!p0 $0x1  }
0x61: {  	_ =	swait.ge @!p0 [sflag:s0], s1  }
0x62: {  	s1 =	ssub.s32 @!p0 $0x0, s1;
	[sflag:s0] =	ssyncset.done @!p0 $0x0  }
0x63: {  	[sflag:s0] =	ssyncadd.s32 @!p0 s1  }
0x64: {  	[bflag:$0x3] =	sbarrier.arrive $0xFFFF  }
0x65: {  	_ =	shalt  }

</sc_bundles>
